<compile_context>
chip_gen: v7x
topology: tpu7x:2x2x1
jax: 0.10.2.dev20260603
libtpu: 0.0.44.dev20260713+nightly
codegen_flags: <defaults>
</compile_context>

<pallas_src>
import functools

import jax
import jax.numpy as jnp
from jax import lax
from jax.experimental import pallas as pl
from jax.experimental.pallas import tpu as pltpu
from jax.experimental.pallas import tpu_sc as plsc

NX = 128
NY = 128
C = 80
NSEG = NX * NY
NPTS = 249216
CHUNK = 384
NCHUNKS = NPTS // CHUNK
NW = 32
ROWS_PER_TILE = NSEG // 16


_mesh = plsc.VectorSubcoreMesh(core_axis_name="c", subcore_axis_name="s")


@functools.partial(
    pl.kernel,
    out_type=jax.ShapeDtypeStruct((2, NSEG, C), jnp.float32),
    mesh=_mesh,
    compiler_params=pltpu.CompilerParams(use_tc_tiling_on_sc=False),
    scratch_types=[
        pltpu.VMEM_SHARED((NSEG, C), jnp.float32),
        pltpu.VMEM((CHUNK, C), jnp.float32),
        pltpu.VMEM((CHUNK,), jnp.int32),
        pltpu.VMEM((CHUNK,), jnp.int32),
        pltpu.VMEM((CHUNK // 128, 128), jnp.int32),
        pltpu.VMEM((16, C), jnp.float32),
    ],
)
def _sc_bev_scatter(x_hbm, gx_hbm, gy_hbm, out_hbm, accum, xbuf, gxbuf, gybuf,
                    ranks, zbuf):
    cid_core = lax.axis_index("c")
    sid = lax.axis_index("s")
    wid = sid * 2 + cid_core

    zeros16 = jnp.zeros((16,), jnp.float32)

    def _zrow(i, _):
        for k in range(C // 16):
            zbuf[i, pl.ds(16 * k, 16)] = zeros16
        return 0

    lax.fori_loop(0, 16, _zrow, 0)
    row0 = sid * ROWS_PER_TILE

    def _zdma(j, _):
        pltpu.sync_copy(zbuf, accum.at[pl.ds(row0 + 16 * j, 16), :])
        return 0

    lax.fori_loop(0, ROWS_PER_TILE // 16, _zdma, 0)
    plsc.subcore_barrier()

    n_extra = NCHUNKS - NW * (NCHUNKS // NW)
    nj = jnp.where(wid < n_extra, NCHUNKS // NW + 1, NCHUNKS // NW)

    def _chunk(j, _):
        base = (wid + NW * j) * CHUNK
        pltpu.sync_copy(x_hbm.at[pl.ds(base, CHUNK), :], xbuf)
        pltpu.sync_copy(gx_hbm.at[pl.ds(base, CHUNK)], gxbuf)
        pltpu.sync_copy(gy_hbm.at[pl.ds(base, CHUNK)], gybuf)
        for sb in range(CHUNK // 128):
            for i in range(8):
                off = sb * 128 + i * 16
                r = gxbuf[pl.ds(off, 16)] * NY + gybuf[pl.ds(off, 16)]
                ranks[sb, pl.ds(i * 16, 16)] = r
        for sb in range(CHUNK // 128):
            pltpu.sync_copy(
                xbuf.at[pl.ds(sb * 128, 128), :],
                accum.at[ranks.at[sb]],
                add=True,
            )
        return 0

    lax.fori_loop(0, nj, _chunk, 0)
    plsc.subcore_barrier()

    pltpu.sync_copy(
        accum.at[pl.ds(row0, ROWS_PER_TILE), :],
        out_hbm.at[cid_core, pl.ds(row0, ROWS_PER_TILE), :],
    )


def _tc_combine_body(p_ref, o_ref):
    s = p_ref[0] + p_ref[1]
    o_ref[...] = s.T


_TC_BLK = 1024


def _tc_combine(partials):
    return pl.pallas_call(
        _tc_combine_body,
        grid=(NSEG // _TC_BLK,),
        in_specs=[pl.BlockSpec((2, _TC_BLK, C), lambda j: (0, j, 0))],
        out_specs=pl.BlockSpec((C, _TC_BLK), lambda j: (0, j)),
        out_shape=jax.ShapeDtypeStruct((C, NSEG), jnp.float32),
    )(partials)


@jax.jit
def kernel(x, geom_xy):
    gx = geom_xy[:, 0]
    gy = geom_xy[:, 1]
    partials = _sc_bev_scatter(x, gx, gy)
    out = _tc_combine(partials)
    return out.reshape(1, C, NX, NY)

# --- scband reference (transcript-rebuilt; emitter-appended) ---
"""Pipeline reference for scband-base-transform-17549236372294 (READ-ONLY COPY).

The authoritative reference and input builder live on the scoring server;
editing this copy changes nothing except your own understanding.
"""

import jax, jax.numpy as jnp
import numpy as np

# BEVFusion-style camera-to-BEV pooling (bev_pool core of BaseTransform).
# B=1 batch, N=6 cameras, D=59 depth bins, feature map 16x44, C=80 channels.
# BEV grid: nx=128, ny=128, nz=1 (xbound/ybound [-51.2,51.2,0.8], zbound [-10,10,20]).
B = 1
N_CAM = 6
D = 59
H = 16
W = 44
C = 80
NX, NY, NZ = 128, 128, 1
NPRIME = B * N_CAM * D * H * W  # 249216


def setup_inputs(seed: int = 0) -> dict:
    key = jax.random.key(seed)
    k1, k2 = jax.random.split(key)
    # Flattened camera frustum features (Nprime, C), already filtered to in-bound voxels.
    x = jax.random.normal(k1, (NPRIME, C), dtype=jnp.float32)
    # Voxelized geometry indices (x_idx, y_idx) into the 128x128 BEV grid.
    # z index and batch index are 0 everywhere (nz=1, B=1), matching the single-z BEV setup.
    geom_xy = jax.random.randint(k2, (NPRIME, 2), 0, NX, dtype=jnp.int32)
    return {"x": x, "geom_xy": geom_xy}


def reference(x, geom_xy):
    # rank = x_idx * (NY * NZ * B) + y_idx * (NZ * B) + z_idx * B + batch_ix
    # z_idx = 0 and batch_ix = 0 here.
    ranks = geom_xy[:, 0] * (NY * NZ * B) + geom_xy[:, 1] * (NZ * B)
    # bev_pool: sum all frustum features falling into the same BEV voxel
    # (equivalent to the sorted-rank cumsum trick / QuickCumsum in the original).
    grid = jax.ops.segment_sum(x, ranks, num_segments=NX * NY * NZ * B)
    # (NX*NY*NZ*B, C) -> (B, C, NZ, NX, NY)
    grid = grid.reshape(NX, NY, NZ, B, C)
    grid = jnp.transpose(grid, (3, 4, 2, 0, 1))  # (B, C, NZ, NX, NY)
    # final = torch.cat(x.unbind(dim=2), 1): collapse z into channels -> (B, C*NZ, NX, NY)
    final = grid.reshape(B, C * NZ, NX, NY)
    return final

if __name__ == "__main__":
    import jax
    _d = setup_inputs()
    print(jax.jit(kernel)(*tuple(_d.values())))

</pallas_src>

<mosaic_0001>
#map = affine_map<(d0, d1) -> (0, 0)>
#map1 = affine_map<(d0, d1) -> (0)>
#map2 = affine_map<(d0, d1) -> (0, 0, 0)>
module attributes {stable_mosaic.version = 14 : i64} {
  func.func @_sc_bev_scatter(%arg0: i32, %arg1: i32, %arg2: memref<249216x80xf32, #tpu.memory_space<hbm>>, %arg3: memref<249216xi32, #tpu.memory_space<hbm>>, %arg4: memref<249216xi32, #tpu.memory_space<hbm>>, %arg5: memref<2x16384x80xf32, #tpu.memory_space<hbm>>, %arg6: memref<16384x80xf32, #tpu.memory_space<vmem_shared>>, %arg7: memref<384x80xf32, #tpu.memory_space<vmem>>, %arg8: memref<384xi32, #tpu.memory_space<vmem>>, %arg9: memref<384xi32, #tpu.memory_space<vmem>>, %arg10: memref<3x128xi32, #tpu.memory_space<vmem>>, %arg11: memref<16x80xf32, #tpu.memory_space<vmem>>) attributes {dimension_semantics = [#tpu.dimension_semantics<core_parallel>, #tpu.dimension_semantics<subcore_parallel>], iteration_bounds = array<i64: 2, 16>, scalar_prefetch = 0 : i64, scratch_operands = 6 : i64, tpu.core_type = #tpu.core_type<sc_vector_subcore>, window_params = [{transform_indices = #map}, {transform_indices = #map1}, {transform_indices = #map1}, {transform_indices = #map2}]} {
    %mul3A = arith.constant 2 : i32
    %mul3A_0 = arith.muli %arg1, %mul3A : i32
    %add3A = arith.addi %mul3A_0, %arg0 : i32
    %broadcast_in_dim3A = arith.constant 0.000000e+00 : f32
    %broadcast_in_dim3A_1 = vector.broadcast %broadcast_in_dim3A : f32 to vector<16xf32>
    %scan3A = arith.constant 0 : i32
    %scan3A_2 = arith.constant 0 : i32
    %scan3A_3 = arith.constant 16 : i32
    %scan3A_4 = arith.addi %scan3A_2, %scan3A_3 : i32
    %scan3A_5 = arith.constant 1 : i32
    %scan3A_6 = scf.for %scan3A_31 = %scan3A_2 to %scan3A_4 step %scan3A_5 iter_args(%scan3A_32 = %scan3A) -> (i32)  : i32 {
      %swap3A = arith.index_cast %scan3A_31 : i32 to index
      %swap3A_33 = arith.constant 0 : index
      %swap3A_34 = tpu.vector_load %arg11[%swap3A, %swap3A_33] {strides = array<i32>} : memref<16x80xf32, #tpu.memory_space<vmem>>, vector<1x16xf32>,
      %swap3A_35 = vector.shape_cast %swap3A_34 : vector<1x16xf32> to vector<16xf32>
      %swap3A_36 = vector.shape_cast %broadcast_in_dim3A_1 : vector<16xf32> to vector<1x16xf32>
      tpu.vector_store %arg11[%swap3A, %swap3A_33], %swap3A_36 {strides = array<i32>} : memref<16x80xf32, #tpu.memory_space<vmem>>, vector<1x16xf32>,
      %swap3A_37 = arith.index_cast %scan3A_31 : i32 to index
      %swap3A_38 = arith.constant 16 : index
      %swap3A_39 = tpu.vector_load %arg11[%swap3A_37, %swap3A_38] {strides = array<i32>} : memref<16x80xf32, #tpu.memory_space<vmem>>, vector<1x16xf32>,
      %swap3A_40 = vector.shape_cast %swap3A_39 : vector<1x16xf32> to vector<16xf32>
      %swap3A_41 = vector.shape_cast %broadcast_in_dim3A_1 : vector<16xf32> to vector<1x16xf32>
      tpu.vector_store %arg11[%swap3A_37, %swap3A_38], %swap3A_41 {strides = array<i32>} : memref<16x80xf32, #tpu.memory_space<vmem>>, vector<1x16xf32>,
      %swap3A_42 = arith.index_cast %scan3A_31 : i32 to index
      %swap3A_43 = arith.constant 32 : index
      %swap3A_44 = tpu.vector_load %arg11[%swap3A_42, %swap3A_43] {strides = array<i32>} : memref<16x80xf32, #tpu.memory_space<vmem>>, vector<1x16xf32>,
      %swap3A_45 = vector.shape_cast %swap3A_44 : vector<1x16xf32> to vector<16xf32>
      %swap3A_46 = vector.shape_cast %broadcast_in_dim3A_1 : vector<16xf32> to vector<1x16xf32>
      tpu.vector_store %arg11[%swap3A_42, %swap3A_43], %swap3A_46 {strides = array<i32>} : memref<16x80xf32, #tpu.memory_space<vmem>>, vector<1x16xf32>,
      %swap3A_47 = arith.index_cast %scan3A_31 : i32 to index
      %swap3A_48 = arith.constant 48 : index
      %swap3A_49 = tpu.vector_load %arg11[%swap3A_47, %swap3A_48] {strides = array<i32>} : memref<16x80xf32, #tpu.memory_space<vmem>>, vector<1x16xf32>,
      %swap3A_50 = vector.shape_cast %swap3A_49 : vector<1x16xf32> to vector<16xf32>
      %swap3A_51 = vector.shape_cast %broadcast_in_dim3A_1 : vector<16xf32> to vector<1x16xf32>
      tpu.vector_store %arg11[%swap3A_47, %swap3A_48], %swap3A_51 {strides = array<i32>} : memref<16x80xf32, #tpu.memory_space<vmem>>, vector<1x16xf32>,
      %swap3A_52 = arith.index_cast %scan3A_31 : i32 to index
      %swap3A_53 = arith.constant 64 : index
      %swap3A_54 = tpu.vector_load %arg11[%swap3A_52, %swap3A_53] {strides = array<i32>} : memref<16x80xf32, #tpu.memory_space<vmem>>, vector<1x16xf32>,
      %swap3A_55 = vector.shape_cast %swap3A_54 : vector<1x16xf32> to vector<16xf32>
      %swap3A_56 = vector.shape_cast %broadcast_in_dim3A_1 : vector<16xf32> to vector<1x16xf32>
      tpu.vector_store %arg11[%swap3A_52, %swap3A_53], %swap3A_56 {strides = array<i32>} : memref<16x80xf32, #tpu.memory_space<vmem>>, vector<1x16xf32>,
      %scan3A_57 = arith.constant 0 : i32
      scf.yield %scan3A_57 : i32
    }
    %scan3A_7 = arith.constant 16 : i32
    %mul3A_8 = arith.constant 1024 : i32
    %mul3A_9 = arith.muli %arg1, %mul3A_8 : i32
    %scan3A_10 = arith.constant 0 : i32
    %scan3A_11 = arith.constant 0 : i32
    %scan3A_12 = arith.constant 64 : i32
    %scan3A_13 = arith.addi %scan3A_11, %scan3A_12 : i32
    %scan3A_14 = arith.constant 1 : i32
    %scan3A_15 = scf.for %scan3A_31 = %scan3A_11 to %scan3A_13 step %scan3A_14 iter_args(%scan3A_32 = %scan3A_10) -> (i32)  : i32 {
      %mul3A_33 = arith.constant 16 : i32
      %mul3A_34 = arith.muli %mul3A_33, %scan3A_31 : i32
      %add3A_35 = arith.addi %mul3A_9, %mul3A_34 : i32
      "tpu.region"() ({
        %run_scoped3A = tpu.sem_alloc : memref<!tpu.dma_semaphore, #tpu.memory_space<semaphore_mem>>
        %dma_start3A = arith.constant 0 : i32
        %dma_start3A_37 = tpu.memref_slice %arg6[%add3A_35, %dma_start3A] : memref<16384x80xf32, #tpu.memory_space<vmem_shared>> -> memref<16x80xf32, #tpu.memory_space<vmem_shared>>
        %dma_start3A_38 = arith.constant 0 : i32
        %dma_start3A_39 = tpu.memref_slice %arg6[%add3A_35, %dma_start3A_38] : memref<16384x80xf32, #tpu.memory_space<vmem_shared>> -> memref<16x80xf32, #tpu.memory_space<vmem_shared>>
        tpu.enqueue_dma source(%arg11 : memref<16x80xf32, #tpu.memory_space<vmem>>) target(%dma_start3A_39 : memref<16x80xf32, #tpu.memory_space<vmem_shared>>) target_semaphore(%run_scoped3A : memref<!tpu.dma_semaphore, #tpu.memory_space<semaphore_mem>>)
        %dma_wait3A = arith.constant 0 : i32
        %dma_wait3A_40 = tpu.memref_slice %arg6[%add3A_35, %dma_wait3A] : memref<16384x80xf32, #tpu.memory_space<vmem_shared>> -> memref<16x80xf32, #tpu.memory_space<vmem_shared>>
        %dma_wait3A_41 = arith.constant 0 : i32
        %dma_wait3A_42 = tpu.memref_slice %arg6[%add3A_35, %dma_wait3A_41] : memref<16384x80xf32, #tpu.memory_space<vmem_shared>> -> memref<16x80xf32, #tpu.memory_space<vmem_shared>>
        tpu.wait_dma2 semaphore(%run_scoped3A : memref<!tpu.dma_semaphore, #tpu.memory_space<semaphore_mem>>) src(%arg11 : memref<16x80xf32, #tpu.memory_space<vmem>>) dst(%dma_wait3A_42 : memref<16x80xf32, #tpu.memory_space<vmem_shared>>)
        tpu.yield
      }) : () -> ()
      %scan3A_36 = arith.constant 0 : i32
      scf.yield %scan3A_36 : i32
    }
    %scan3A_16 = arith.constant 64 : i32
    %barrier3A = arith.constant 0 : index
    tpu.barrier barrier_id(%barrier3A)
    %lt3A = arith.constant 9 : i32
    %lt3A_17 = arith.cmpi slt, %add3A, %lt3A : i32
    %jit3A = arith.constant 21 : i32
    %jit3A_18 = arith.constant 20 : i32
    %select_n3A = arith.select %lt3A_17, %jit3A, %jit3A_18 : i32
    %while3A = arith.constant 0 : i32
    %while3A_19 = arith.constant 0 : i32
    %while3A_20 = arith.subi %select_n3A, %while3A : i32
    %while3A_21 = arith.addi %while3A, %while3A_20 : i32
    %while3A_22 = arith.constant 1 : i32
    %while3A_23 = arith.divsi %while3A_20, %while3A_22 : i32
    %while3A_24 = arith.muli %while3A_23, %while3A_22 : i32
    %while3A_25 = arith.addi %while3A, %while3A_24 : i32
    %while3A_26 = arith.constant 1 : i32
    %while3A_27 = scf.for %while3A_31 = %while3A to %while3A_25 step %while3A_26 iter_args(%while3A_32 = %while3A_19) -> (i32)  : i32 {
      %mul3A_33 = arith.constant 32 : i32
      %mul3A_34 = arith.muli %mul3A_33, %while3A_31 : i32
      %add3A_35 = arith.addi %add3A, %mul3A_34 : i32
      %mul3A_36 = arith.constant 384 : i32
      %mul3A_37 = arith.muli %add3A_35, %mul3A_36 : i32
      "tpu.region"() ({
        %run_scoped3A_423 = tpu.sem_alloc : memref<!tpu.dma_semaphore, #tpu.memory_space<semaphore_mem>>
        %dma_start3A = arith.constant 0 : i32
        %dma_start3A_424 = tpu.memref_slice %arg2[%mul3A_37, %dma_start3A] : memref<249216x80xf32, #tpu.memory_space<hbm>> -> memref<384x80xf32, #tpu.memory_space<hbm>>
        %dma_start3A_425 = arith.constant 0 : i32
        %dma_start3A_426 = tpu.memref_slice %arg2[%mul3A_37, %dma_start3A_425] : memref<249216x80xf32, #tpu.memory_space<hbm>> -> memref<384x80xf32, #tpu.memory_space<hbm>>
        tpu.enqueue_dma source(%dma_start3A_426 : memref<384x80xf32, #tpu.memory_space<hbm>>) target(%arg7 : memref<384x80xf32, #tpu.memory_space<vmem>>) target_semaphore(%run_scoped3A_423 : memref<!tpu.dma_semaphore, #tpu.memory_space<semaphore_mem>>)
        %dma_wait3A = arith.constant 0 : i32
        %dma_wait3A_427 = tpu.memref_slice %arg2[%mul3A_37, %dma_wait3A] : memref<249216x80xf32, #tpu.memory_space<hbm>> -> memref<384x80xf32, #tpu.memory_space<hbm>>
        %dma_wait3A_428 = arith.constant 0 : i32
        %dma_wait3A_429 = tpu.memref_slice %arg2[%mul3A_37, %dma_wait3A_428] : memref<249216x80xf32, #tpu.memory_space<hbm>> -> memref<384x80xf32, #tpu.memory_space<hbm>>
        tpu.wait_dma2 semaphore(%run_scoped3A_423 : memref<!tpu.dma_semaphore, #tpu.memory_space<semaphore_mem>>) src(%dma_wait3A_429 : memref<384x80xf32, #tpu.memory_space<hbm>>) dst(%arg7 : memref<384x80xf32, #tpu.memory_space<vmem>>)
        tpu.yield
      }) : () -> ()
      "tpu.region"() ({
        %run_scoped3A_423 = tpu.sem_alloc : memref<!tpu.dma_semaphore, #tpu.memory_space<semaphore_mem>>
        %dma_start3A = tpu.memref_slice %arg3[%mul3A_37] : memref<249216xi32, #tpu.memory_space<hbm>> -> memref<384xi32, #tpu.memory_space<hbm>>
        %dma_start3A_424 = tpu.memref_slice %arg3[%mul3A_37] : memref<249216xi32, #tpu.memory_space<hbm>> -> memref<384xi32, #tpu.memory_space<hbm>>
        tpu.enqueue_dma source(%dma_start3A_424 : memref<384xi32, #tpu.memory_space<hbm>>) target(%arg8 : memref<384xi32, #tpu.memory_space<vmem>>) target_semaphore(%run_scoped3A_423 : memref<!tpu.dma_semaphore, #tpu.memory_space<semaphore_mem>>)
        %dma_wait3A = tpu.memref_slice %arg3[%mul3A_37] : memref<249216xi32, #tpu.memory_space<hbm>> -> memref<384xi32, #tpu.memory_space<hbm>>
        %dma_wait3A_425 = tpu.memref_slice %arg3[%mul3A_37] : memref<249216xi32, #tpu.memory_space<hbm>> -> memref<384xi32, #tpu.memory_space<hbm>>
        tpu.wait_dma2 semaphore(%run_scoped3A_423 : memref<!tpu.dma_semaphore, #tpu.memory_space<semaphore_mem>>) src(%dma_wait3A_425 : memref<384xi32, #tpu.memory_space<hbm>>) dst(%arg8 : memref<384xi32, #tpu.memory_space<vmem>>)
        tpu.yield
      }) : () -> ()
      "tpu.region"() ({
        %run_scoped3A_423 = tpu.sem_alloc : memref<!tpu.dma_semaphore, #tpu.memory_space<semaphore_mem>>
        %dma_start3A = tpu.memref_slice %arg4[%mul3A_37] : memref<249216xi32, #tpu.memory_space<hbm>> -> memref<384xi32, #tpu.memory_space<hbm>>
        %dma_start3A_424 = tpu.memref_slice %arg4[%mul3A_37] : memref<249216xi32, #tpu.memory_space<hbm>> -> memref<384xi32, #tpu.memory_space<hbm>>
        tpu.enqueue_dma source(%dma_start3A_424 : memref<384xi32, #tpu.memory_space<hbm>>) target(%arg9 : memref<384xi32, #tpu.memory_space<vmem>>) target_semaphore(%run_scoped3A_423 : memref<!tpu.dma_semaphore, #tpu.memory_space<semaphore_mem>>)
        %dma_wait3A = tpu.memref_slice %arg4[%mul3A_37] : memref<249216xi32, #tpu.memory_space<hbm>> -> memref<384xi32, #tpu.memory_space<hbm>>
        %dma_wait3A_425 = tpu.memref_slice %arg4[%mul3A_37] : memref<249216xi32, #tpu.memory_space<hbm>> -> memref<384xi32, #tpu.memory_space<hbm>>
        tpu.wait_dma2 semaphore(%run_scoped3A_423 : memref<!tpu.dma_semaphore, #tpu.memory_space<semaphore_mem>>) src(%dma_wait3A_425 : memref<384xi32, #tpu.memory_space<hbm>>) dst(%arg9 : memref<384xi32, #tpu.memory_space<vmem>>)
        tpu.yield
      }) : () -> ()
      %get3A = arith.constant 0 : index
      %get3A_38 = tpu.vector_load %arg8[%get3A] {strides = array<i32>} : memref<384xi32, #tpu.memory_space<vmem>>, vector<16xi32>,
      %get3A_39 = vector.shape_cast %get3A_38 : vector<16xi32> to vector<16xi32>
      %mul3A_40 = arith.constant 128 : i32
      %mul3A_41 = vector.broadcast %mul3A_40 : i32 to vector<16xi32>
      %mul3A_42 = arith.muli %get3A_39, %mul3A_41 : vector<16xi32>
      %get3A_43 = arith.constant 0 : index
      %get3A_44 = tpu.vector_load %arg9[%get3A_43] {strides = array<i32>} : memref<384xi32, #tpu.memory_space<vmem>>, vector<16xi32>,
      %get3A_45 = vector.shape_cast %get3A_44 : vector<16xi32> to vector<16xi32>
      %add3A_46 = arith.addi %mul3A_42, %get3A_45 : vector<16xi32>
      %swap3A = arith.constant 0 : i32
      %swap3A_47 = arith.index_cast %swap3A : i32 to index
      %swap3A_48 = arith.constant 0 : index
      %swap3A_49 = tpu.vector_load %arg10[%swap3A_47, %swap3A_48] {strides = array<i32>} : memref<3x128xi32, #tpu.memory_space<vmem>>, vector<1x16xi32>,
      %swap3A_50 = vector.shape_cast %swap3A_49 : vector<1x16xi32> to vector<16xi32>
      %swap3A_51 = vector.shape_cast %add3A_46 : vector<16xi32> to vector<1x16xi32>
      tpu.vector_store %arg10[%swap3A_47, %swap3A_48], %swap3A_51 {strides = array<i32>} : memref<3x128xi32, #tpu.memory_space<vmem>>, vector<1x16xi32>,
      %get3A_52 = arith.constant 16 : index
      %get3A_53 = tpu.vector_load %arg8[%get3A_52] {strides = array<i32>} : memref<384xi32, #tpu.memory_space<vmem>>, vector<16xi32>,
      %get3A_54 = vector.shape_cast %get3A_53 : vector<16xi32> to vector<16xi32>
      %mul3A_55 = arith.constant 128 : i32
      %mul3A_56 = vector.broadcast %mul3A_55 : i32 to vector<16xi32>
      %mul3A_57 = arith.muli %get3A_54, %mul3A_56 : vector<16xi32>
      %get3A_58 = arith.constant 16 : index
      %get3A_59 = tpu.vector_load %arg9[%get3A_58] {strides = array<i32>} : memref<384xi32, #tpu.memory_space<vmem>>, vector<16xi32>,
      %get3A_60 = vector.shape_cast %get3A_59 : vector<16xi32> to vector<16xi32>
      %add3A_61 = arith.addi %mul3A_57, %get3A_60 : vector<16xi32>
      %swap3A_62 = arith.constant 0 : i32
      %swap3A_63 = arith.index_cast %swap3A_62 : i32 to index
      %swap3A_64 = arith.constant 16 : index
      %swap3A_65 = tpu.vector_load %arg10[%swap3A_63, %swap3A_64] {strides = array<i32>} : memref<3x128xi32, #tpu.memory_space<vmem>>, vector<1x16xi32>,
      %swap3A_66 = vector.shape_cast %swap3A_65 : vector<1x16xi32> to vector<16xi32>
      %swap3A_67 = vector.shape_cast %add3A_61 : vector<16xi32> to vector<1x16xi32>
      tpu.vector_store %arg10[%swap3A_63, %swap3A_64], %swap3A_67 {strides = array<i32>} : memref<3x128xi32, #tpu.memory_space<vmem>>, vector<1x16xi32>,
      %get3A_68 = arith.constant 32 : index
      %get3A_69 = tpu.vector_load %arg8[%get3A_68] {strides = array<i32>} : memref<384xi32, #tpu.memory_space<vmem>>, vector<16xi32>,
      %get3A_70 = vector.shape_cast %get3A_69 : vector<16xi32> to vector<16xi32>
      %mul3A_71 = arith.constant 128 : i32
      %mul3A_72 = vector.broadcast %mul3A_71 : i32 to vector<16xi32>
      %mul3A_73 = arith.muli %get3A_70, %mul3A_72 : vector<16xi32>
      %get3A_74 = arith.constant 32 : index
      %get3A_75 = tpu.vector_load %arg9[%get3A_74] {strides = array<i32>} : memref<384xi32, #tpu.memory_space<vmem>>, vector<16xi32>,
      %get3A_76 = vector.shape_cast %get3A_75 : vector<16xi32> to vector<16xi32>
      %add3A_77 = arith.addi %mul3A_73, %get3A_76 : vector<16xi32>
      %swap3A_78 = arith.constant 0 : i32
      %swap3A_79 = arith.index_cast %swap3A_78 : i32 to index
      %swap3A_80 = arith.constant 32 : index
      %swap3A_81 = tpu.vector_load %arg10[%swap3A_79, %swap3A_80] {strides = array<i32>} : memref<3x128xi32, #tpu.memory_space<vmem>>, vector<1x16xi32>,
      %swap3A_82 = vector.shape_cast %swap3A_81 : vector<1x16xi32> to vector<16xi32>
      %swap3A_83 = vector.shape_cast %add3A_77 : vector<16xi32> to vector<1x16xi32>
      tpu.vector_store %arg10[%swap3A_79, %swap3A_80], %swap3A_83 {strides = array<i32>} : memref<3x128xi32, #tpu.memory_space<vmem>>, vector<1x16xi32>,
      %get3A_84 = arith.constant 48 : index
      %get3A_85 = tpu.vector_load %arg8[%get3A_84] {strides = array<i32>} : memref<384xi32, #tpu.memory_space<vmem>>, vector<16xi32>,
      %get3A_86 = vector.shape_cast %get3A_85 : vector<16xi32> to vector<16xi32>
      %mul3A_87 = arith.constant 128 : i32
      %mul3A_88 = vector.broadcast %mul3A_87 : i32 to vector<16xi32>
      %mul3A_89 = arith.muli %get3A_86, %mul3A_88 : vector<16xi32>
      %get3A_90 = arith.constant 48 : index
      %get3A_91 = tpu.vector_load %arg9[%get3A_90] {strides = array<i32>} : memref<384xi32, #tpu.memory_space<vmem>>, vector<16xi32>,
      %get3A_92 = vector.shape_cast %get3A_91 : vector<16xi32> to vector<16xi32>
      %add3A_93 = arith.addi %mul3A_89, %get3A_92 : vector<16xi32>
      %swap3A_94 = arith.constant 0 : i32
      %swap3A_95 = arith.index_cast %swap3A_94 : i32 to index
      %swap3A_96 = arith.constant 48 : index
      %swap3A_97 = tpu.vector_load %arg10[%swap3A_95, %swap3A_96] {strides = array<i32>} : memref<3x128xi32, #tpu.memory_space<vmem>>, vector<1x16xi32>,
      %swap3A_98 = vector.shape_cast %swap3A_97 : vector<1x16xi32> to vector<16xi32>
      %swap3A_99 = vector.shape_cast %add3A_93 : vector<16xi32> to vector<1x16xi32>
      tpu.vector_store %arg10[%swap3A_95, %swap3A_96], %swap3A_99 {strides = array<i32>} : memref<3x128xi32, #tpu.memory_space<vmem>>, vector<1x16xi32>,
      %get3A_100 = arith.constant 64 : index
      %get3A_101 = tpu.vector_load %arg8[%get3A_100] {strides = array<i32>} : memref<384xi32, #tpu.memory_space<vmem>>, vector<16xi32>,
      %get3A_102 = vector.shape_cast %get3A_101 : vector<16xi32> to vector<16xi32>
      %mul3A_103 = arith.constant 128 : i32
      %mul3A_104 = vector.broadcast %mul3A_103 : i32 to vector<16xi32>
      %mul3A_105 = arith.muli %get3A_102, %mul3A_104 : vector<16xi32>
      %get3A_106 = arith.constant 64 : index
      %get3A_107 = tpu.vector_load %arg9[%get3A_106] {strides = array<i32>} : memref<384xi32, #tpu.memory_space<vmem>>, vector<16xi32>,
      %get3A_108 = vector.shape_cast %get3A_107 : vector<16xi32> to vector<16xi32>
      %add3A_109 = arith.addi %mul3A_105, %get3A_108 : vector<16xi32>
      %swap3A_110 = arith.constant 0 : i32
      %swap3A_111 = arith.index_cast %swap3A_110 : i32 to index
      %swap3A_112 = arith.constant 64 : index
      %swap3A_113 = tpu.vector_load %arg10[%swap3A_111, %swap3A_112] {strides = array<i32>} : memref<3x128xi32, #tpu.memory_space<vmem>>, vector<1x16xi32>,
      %swap3A_114 = vector.shape_cast %swap3A_113 : vector<1x16xi32> to vector<16xi32>
      %swap3A_115 = vector.shape_cast %add3A_109 : vector<16xi32> to vector<1x16xi32>
      tpu.vector_store %arg10[%swap3A_111, %swap3A_112], %swap3A_115 {strides = array<i32>} : memref<3x128xi32, #tpu.memory_space<vmem>>, vector<1x16xi32>,
      %get3A_116 = arith.constant 80 : index
      %get3A_117 = tpu.vector_load %arg8[%get3A_116] {strides = array<i32>} : memref<384xi32, #tpu.memory_space<vmem>>, vector<16xi32>,
      %get3A_118 = vector.shape_cast %get3A_117 : vector<16xi32> to vector<16xi32>
      %mul3A_119 = arith.constant 128 : i32
      %mul3A_120 = vector.broadcast %mul3A_119 : i32 to vector<16xi32>
      %mul3A_121 = arith.muli %get3A_118, %mul3A_120 : vector<16xi32>
      %get3A_122 = arith.constant 80 : index
      %get3A_123 = tpu.vector_load %arg9[%get3A_122] {strides = array<i32>} : memref<384xi32, #tpu.memory_space<vmem>>, vector<16xi32>,
      %get3A_124 = vector.shape_cast %get3A_123 : vector<16xi32> to vector<16xi32>
      %add3A_125 = arith.addi %mul3A_121, %get3A_124 : vector<16xi32>
      %swap3A_126 = arith.constant 0 : i32
      %swap3A_127 = arith.index_cast %swap3A_126 : i32 to index
      %swap3A_128 = arith.constant 80 : index
      %swap3A_129 = tpu.vector_load %arg10[%swap3A_127, %swap3A_128] {strides = array<i32>} : memref<3x128xi32, #tpu.memory_space<vmem>>, vector<1x16xi32>,
      %swap3A_130 = vector.shape_cast %swap3A_129 : vector<1x16xi32> to vector<16xi32>
      %swap3A_131 = vector.shape_cast %add3A_125 : vector<16xi32> to vector<1x16xi32>
      tpu.vector_store %arg10[%swap3A_127, %swap3A_128], %swap3A_131 {strides = array<i32>} : memref<3x128xi32, #tpu.memory_space<vmem>>, vector<1x16xi32>,
      %get3A_132 = arith.constant 96 : index
      %get3A_133 = tpu.vector_load %arg8[%get3A_132] {strides = array<i32>} : memref<384xi32, #tpu.memory_space<vmem>>, vector<16xi32>,
      %get3A_134 = vector.shape_cast %get3A_133 : vector<16xi32> to vector<16xi32>
      %mul3A_135 = arith.constant 128 : i32
      %mul3A_136 = vector.broadcast %mul3A_135 : i32 to vector<16xi32>
      %mul3A_137 = arith.muli %get3A_134, %mul3A_136 : vector<16xi32>
      %get3A_138 = arith.constant 96 : index
      %get3A_139 = tpu.vector_load %arg9[%get3A_138] {strides = array<i32>} : memref<384xi32, #tpu.memory_space<vmem>>, vector<16xi32>,
      %get3A_140 = vector.shape_cast %get3A_139 : vector<16xi32> to vector<16xi32>
      %add3A_141 = arith.addi %mul3A_137, %get3A_140 : vector<16xi32>
      %swap3A_142 = arith.constant 0 : i32
      %swap3A_143 = arith.index_cast %swap3A_142 : i32 to index
      %swap3A_144 = arith.constant 96 : index
      %swap3A_145 = tpu.vector_load %arg10[%swap3A_143, %swap3A_144] {strides = array<i32>} : memref<3x128xi32, #tpu.memory_space<vmem>>, vector<1x16xi32>,
      %swap3A_146 = vector.shape_cast %swap3A_145 : vector<1x16xi32> to vector<16xi32>
      %swap3A_147 = vector.shape_cast %add3A_141 : vector<16xi32> to vector<1x16xi32>
      tpu.vector_store %arg10[%swap3A_143, %swap3A_144], %swap3A_147 {strides = array<i32>} : memref<3x128xi32, #tpu.memory_space<vmem>>, vector<1x16xi32>,
      %get3A_148 = arith.constant 112 : index
      %get3A_149 = tpu.vector_load %arg8[%get3A_148] {strides = array<i32>} : memref<384xi32, #tpu.memory_space<vmem>>, vector<16xi32>,
      %get3A_150 = vector.shape_cast %get3A_149 : vector<16xi32> to vector<16xi32>
      %mul3A_151 = arith.constant 128 : i32
      %mul3A_152 = vector.broadcast %mul3A_151 : i32 to vector<16xi32>
      %mul3A_153 = arith.muli %get3A_150, %mul3A_152 : vector<16xi32>
      %get3A_154 = arith.constant 112 : index
      %get3A_155 = tpu.vector_load %arg9[%get3A_154] {strides = array<i32>} : memref<384xi32, #tpu.memory_space<vmem>>, vector<16xi32>,
      %get3A_156 = vector.shape_cast %get3A_155 : vector<16xi32> to vector<16xi32>
      %add3A_157 = arith.addi %mul3A_153, %get3A_156 : vector<16xi32>
      %swap3A_158 = arith.constant 0 : i32
      %swap3A_159 = arith.index_cast %swap3A_158 : i32 to index
      %swap3A_160 = arith.constant 112 : index
      %swap3A_161 = tpu.vector_load %arg10[%swap3A_159, %swap3A_160] {strides = array<i32>} : memref<3x128xi32, #tpu.memory_space<vmem>>, vector<1x16xi32>,
      %swap3A_162 = vector.shape_cast %swap3A_161 : vector<1x16xi32> to vector<16xi32>
      %swap3A_163 = vector.shape_cast %add3A_157 : vector<16xi32> to vector<1x16xi32>
      tpu.vector_store %arg10[%swap3A_159, %swap3A_160], %swap3A_163 {strides = array<i32>} : memref<3x128xi32, #tpu.memory_space<vmem>>, vector<1x16xi32>,
      %get3A_164 = arith.constant 128 : index
      %get3A_165 = tpu.vector_load %arg8[%get3A_164] {strides = array<i32>} : memref<384xi32, #tpu.memory_space<vmem>>, vector<16xi32>,
      %get3A_166 = vector.shape_cast %get3A_165 : vector<16xi32> to vector<16xi32>
      %mul3A_167 = arith.constant 128 : i32
      %mul3A_168 = vector.broadcast %mul3A_167 : i32 to vector<16xi32>
      %mul3A_169 = arith.muli %get3A_166, %mul3A_168 : vector<16xi32>
      %get3A_170 = arith.constant 128 : index
      %get3A_171 = tpu.vector_load %arg9[%get3A_170] {strides = array<i32>} : memref<384xi32, #tpu.memory_space<vmem>>, vector<16xi32>,
      %get3A_172 = vector.shape_cast %get3A_171 : vector<16xi32> to vector<16xi32>
      %add3A_173 = arith.addi %mul3A_169, %get3A_172 : vector<16xi32>
      %swap3A_174 = arith.constant 1 : i32
      %swap3A_175 = arith.index_cast %swap3A_174 : i32 to index
      %swap3A_176 = arith.constant 0 : index
      %swap3A_177 = tpu.vector_load %arg10[%swap3A_175, %swap3A_176] {strides = array<i32>} : memref<3x128xi32, #tpu.memory_space<vmem>>, vector<1x16xi32>,
      %swap3A_178 = vector.shape_cast %swap3A_177 : vector<1x16xi32> to vector<16xi32>
      %swap3A_179 = vector.shape_cast %add3A_173 : vector<16xi32> to vector<1x16xi32>
      tpu.vector_store %arg10[%swap3A_175, %swap3A_176], %swap3A_179 {strides = array<i32>} : memref<3x128xi32, #tpu.memory_space<vmem>>, vector<1x16xi32>,
      %get3A_180 = arith.constant 144 : index
      %get3A_181 = tpu.vector_load %arg8[%get3A_180] {strides = array<i32>} : memref<384xi32, #tpu.memory_space<vmem>>, vector<16xi32>,
      %get3A_182 = vector.shape_cast %get3A_181 : vector<16xi32> to vector<16xi32>
      %mul3A_183 = arith.constant 128 : i32
      %mul3A_184 = vector.broadcast %mul3A_183 : i32 to vector<16xi32>
      %mul3A_185 = arith.muli %get3A_182, %mul3A_184 : vector<16xi32>
      %get3A_186 = arith.constant 144 : index
      %get3A_187 = tpu.vector_load %arg9[%get3A_186] {strides = array<i32>} : memref<384xi32, #tpu.memory_space<vmem>>, vector<16xi32>,
      %get3A_188 = vector.shape_cast %get3A_187 : vector<16xi32> to vector<16xi32>
      %add3A_189 = arith.addi %mul3A_185, %get3A_188 : vector<16xi32>
      %swap3A_190 = arith.constant 1 : i32
      %swap3A_191 = arith.index_cast %swap3A_190 : i32 to index
      %swap3A_192 = arith.constant 16 : index
      %swap3A_193 = tpu.vector_load %arg10[%swap3A_191, %swap3A_192] {strides = array<i32>} : memref<3x128xi32, #tpu.memory_space<vmem>>, vector<1x16xi32>,
      %swap3A_194 = vector.shape_cast %swap3A_193 : vector<1x16xi32> to vector<16xi32>
      %swap3A_195 = vector.shape_cast %add3A_189 : vector<16xi32> to vector<1x16xi32>
      tpu.vector_store %arg10[%swap3A_191, %swap3A_192], %swap3A_195 {strides = array<i32>} : memref<3x128xi32, #tpu.memory_space<vmem>>, vector<1x16xi32>,
      %get3A_196 = arith.constant 160 : index
      %get3A_197 = tpu.vector_load %arg8[%get3A_196] {strides = array<i32>} : memref<384xi32, #tpu.memory_space<vmem>>, vector<16xi32>,
      %get3A_198 = vector.shape_cast %get3A_197 : vector<16xi32> to vector<16xi32>
      %mul3A_199 = arith.constant 128 : i32
      %mul3A_200 = vector.broadcast %mul3A_199 : i32 to vector<16xi32>
      %mul3A_201 = arith.muli %get3A_198, %mul3A_200 : vector<16xi32>
      %get3A_202 = arith.constant 160 : index
      %get3A_203 = tpu.vector_load %arg9[%get3A_202] {strides = array<i32>} : memref<384xi32, #tpu.memory_space<vmem>>, vector<16xi32>,
      %get3A_204 = vector.shape_cast %get3A_203 : vector<16xi32> to vector<16xi32>
      %add3A_205 = arith.addi %mul3A_201, %get3A_204 : vector<16xi32>
      %swap3A_206 = arith.constant 1 : i32
      %swap3A_207 = arith.index_cast %swap3A_206 : i32 to index
      %swap3A_208 = arith.constant 32 : index
      %swap3A_209 = tpu.vector_load %arg10[%swap3A_207, %swap3A_208] {strides = array<i32>} : memref<3x128xi32, #tpu.memory_space<vmem>>, vector<1x16xi32>,
      %swap3A_210 = vector.shape_cast %swap3A_209 : vector<1x16xi32> to vector<16xi32>
      %swap3A_211 = vector.shape_cast %add3A_205 : vector<16xi32> to vector<1x16xi32>
      tpu.vector_store %arg10[%swap3A_207, %swap3A_208], %swap3A_211 {strides = array<i32>} : memref<3x128xi32, #tpu.memory_space<vmem>>, vector<1x16xi32>,
      %get3A_212 = arith.constant 176 : index
      %get3A_213 = tpu.vector_load %arg8[%get3A_212] {strides = array<i32>} : memref<384xi32, #tpu.memory_space<vmem>>, vector<16xi32>,
      %get3A_214 = vector.shape_cast %get3A_213 : vector<16xi32> to vector<16xi32>
      %mul3A_215 = arith.constant 128 : i32
      %mul3A_216 = vector.broadcast %mul3A_215 : i32 to vector<16xi32>
      %mul3A_217 = arith.muli %get3A_214, %mul3A_216 : vector<16xi32>
      %get3A_218 = arith.constant 176 : index
      %get3A_219 = tpu.vector_load %arg9[%get3A_218] {strides = array<i32>} : memref<384xi32, #tpu.memory_space<vmem>>, vector<16xi32>,
      %get3A_220 = vector.shape_cast %get3A_219 : vector<16xi32> to vector<16xi32>
      %add3A_221 = arith.addi %mul3A_217, %get3A_220 : vector<16xi32>
      %swap3A_222 = arith.constant 1 : i32
      %swap3A_223 = arith.index_cast %swap3A_222 : i32 to index
      %swap3A_224 = arith.constant 48 : index
      %swap3A_225 = tpu.vector_load %arg10[%swap3A_223, %swap3A_224] {strides = array<i32>} : memref<3x128xi32, #tpu.memory_space<vmem>>, vector<1x16xi32>,
      %swap3A_226 = vector.shape_cast %swap3A_225 : vector<1x16xi32> to vector<16xi32>
      %swap3A_227 = vector.shape_cast %add3A_221 : vector<16xi32> to vector<1x16xi32>
      tpu.vector_store %arg10[%swap3A_223, %swap3A_224], %swap3A_227 {strides = array<i32>} : memref<3x128xi32, #tpu.memory_space<vmem>>, vector<1x16xi32>,
      %get3A_228 = arith.constant 192 : index
      %get3A_229 = tpu.vector_load %arg8[%get3A_228] {strides = array<i32>} : memref<384xi32, #tpu.memory_space<vmem>>, vector<16xi32>,
      %get3A_230 = vector.shape_cast %get3A_229 : vector<16xi32> to vector<16xi32>
      %mul3A_231 = arith.constant 128 : i32
      %mul3A_232 = vector.broadcast %mul3A_231 : i32 to vector<16xi32>
      %mul3A_233 = arith.muli %get3A_230, %mul3A_232 : vector<16xi32>
      %get3A_234 = arith.constant 192 : index
      %get3A_235 = tpu.vector_load %arg9[%get3A_234] {strides = array<i32>} : memref<384xi32, #tpu.memory_space<vmem>>, vector<16xi32>,
      %get3A_236 = vector.shape_cast %get3A_235 : vector<16xi32> to vector<16xi32>
      %add3A_237 = arith.addi %mul3A_233, %get3A_236 : vector<16xi32>
      %swap3A_238 = arith.constant 1 : i32
      %swap3A_239 = arith.index_cast %swap3A_238 : i32 to index
      %swap3A_240 = arith.constant 64 : index
      %swap3A_241 = tpu.vector_load %arg10[%swap3A_239, %swap3A_240] {strides = array<i32>} : memref<3x128xi32, #tpu.memory_space<vmem>>, vector<1x16xi32>,
      %swap3A_242 = vector.shape_cast %swap3A_241 : vector<1x16xi32> to vector<16xi32>
      %swap3A_243 = vector.shape_cast %add3A_237 : vector<16xi32> to vector<1x16xi32>
      tpu.vector_store %arg10[%swap3A_239, %swap3A_240], %swap3A_243 {strides = array<i32>} : memref<3x128xi32, #tpu.memory_space<vmem>>, vector<1x16xi32>,
      %get3A_244 = arith.constant 208 : index
      %get3A_245 = tpu.vector_load %arg8[%get3A_244] {strides = array<i32>} : memref<384xi32, #tpu.memory_space<vmem>>, vector<16xi32>,
      %get3A_246 = vector.shape_cast %get3A_245 : vector<16xi32> to vector<16xi32>
      %mul3A_247 = arith.constant 128 : i32
      %mul3A_248 = vector.broadcast %mul3A_247 : i32 to vector<16xi32>
      %mul3A_249 = arith.muli %get3A_246, %mul3A_248 : vector<16xi32>
      %get3A_250 = arith.constant 208 : index
      %get3A_251 = tpu.vector_load %arg9[%get3A_250] {strides = array<i32>} : memref<384xi32, #tpu.memory_space<vmem>>, vector<16xi32>,
      %get3A_252 = vector.shape_cast %get3A_251 : vector<16xi32> to vector<16xi32>
      %add3A_253 = arith.addi %mul3A_249, %get3A_252 : vector<16xi32>
      %swap3A_254 = arith.constant 1 : i32
      %swap3A_255 = arith.index_cast %swap3A_254 : i32 to index
      %swap3A_256 = arith.constant 80 : index
      %swap3A_257 = tpu.vector_load %arg10[%swap3A_255, %swap3A_256] {strides = array<i32>} : memref<3x128xi32, #tpu.memory_space<vmem>>, vector<1x16xi32>,
      %swap3A_258 = vector.shape_cast %swap3A_257 : vector<1x16xi32> to vector<16xi32>
      %swap3A_259 = vector.shape_cast %add3A_253 : vector<16xi32> to vector<1x16xi32>
      tpu.vector_store %arg10[%swap3A_255, %swap3A_256], %swap3A_259 {strides = array<i32>} : memref<3x128xi32, #tpu.memory_space<vmem>>, vector<1x16xi32>,
      %get3A_260 = arith.constant 224 : index
      %get3A_261 = tpu.vector_load %arg8[%get3A_260] {strides = array<i32>} : memref<384xi32, #tpu.memory_space<vmem>>, vector<16xi32>,
      %get3A_262 = vector.shape_cast %get3A_261 : vector<16xi32> to vector<16xi32>
      %mul3A_263 = arith.constant 128 : i32
      %mul3A_264 = vector.broadcast %mul3A_263 : i32 to vector<16xi32>
      %mul3A_265 = arith.muli %get3A_262, %mul3A_264 : vector<16xi32>
      %get3A_266 = arith.constant 224 : index
      %get3A_267 = tpu.vector_load %arg9[%get3A_266] {strides = array<i32>} : memref<384xi32, #tpu.memory_space<vmem>>, vector<16xi32>,
      %get3A_268 = vector.shape_cast %get3A_267 : vector<16xi32> to vector<16xi32>
      %add3A_269 = arith.addi %mul3A_265, %get3A_268 : vector<16xi32>
      %swap3A_270 = arith.constant 1 : i32
      %swap3A_271 = arith.index_cast %swap3A_270 : i32 to index
      %swap3A_272 = arith.constant 96 : index
      %swap3A_273 = tpu.vector_load %arg10[%swap3A_271, %swap3A_272] {strides = array<i32>} : memref<3x128xi32, #tpu.memory_space<vmem>>, vector<1x16xi32>,
      %swap3A_274 = vector.shape_cast %swap3A_273 : vector<1x16xi32> to vector<16xi32>
      %swap3A_275 = vector.shape_cast %add3A_269 : vector<16xi32> to vector<1x16xi32>
      tpu.vector_store %arg10[%swap3A_271, %swap3A_272], %swap3A_275 {strides = array<i32>} : memref<3x128xi32, #tpu.memory_space<vmem>>, vector<1x16xi32>,
      %get3A_276 = arith.constant 240 : index
      %get3A_277 = tpu.vector_load %arg8[%get3A_276] {strides = array<i32>} : memref<384xi32, #tpu.memory_space<vmem>>, vector<16xi32>,
      %get3A_278 = vector.shape_cast %get3A_277 : vector<16xi32> to vector<16xi32>
      %mul3A_279 = arith.constant 128 : i32
      %mul3A_280 = vector.broadcast %mul3A_279 : i32 to vector<16xi32>
      %mul3A_281 = arith.muli %get3A_278, %mul3A_280 : vector<16xi32>
      %get3A_282 = arith.constant 240 : index
      %get3A_283 = tpu.vector_load %arg9[%get3A_282] {strides = array<i32>} : memref<384xi32, #tpu.memory_space<vmem>>, vector<16xi32>,
      %get3A_284 = vector.shape_cast %get3A_283 : vector<16xi32> to vector<16xi32>
      %add3A_285 = arith.addi %mul3A_281, %get3A_284 : vector<16xi32>
      %swap3A_286 = arith.constant 1 : i32
      %swap3A_287 = arith.index_cast %swap3A_286 : i32 to index
      %swap3A_288 = arith.constant 112 : index
      %swap3A_289 = tpu.vector_load %arg10[%swap3A_287, %swap3A_288] {strides = array<i32>} : memref<3x128xi32, #tpu.memory_space<vmem>>, vector<1x16xi32>,
      %swap3A_290 = vector.shape_cast %swap3A_289 : vector<1x16xi32> to vector<16xi32>
      %swap3A_291 = vector.shape_cast %add3A_285 : vector<16xi32> to vector<1x16xi32>
      tpu.vector_store %arg10[%swap3A_287, %swap3A_288], %swap3A_291 {strides = array<i32>} : memref<3x128xi32, #tpu.memory_space<vmem>>, vector<1x16xi32>,
      %get3A_292 = arith.constant 256 : index
      %get3A_293 = tpu.vector_load %arg8[%get3A_292] {strides = array<i32>} : memref<384xi32, #tpu.memory_space<vmem>>, vector<16xi32>,
      %get3A_294 = vector.shape_cast %get3A_293 : vector<16xi32> to vector<16xi32>
      %mul3A_295 = arith.constant 128 : i32
      %mul3A_296 = vector.broadcast %mul3A_295 : i32 to vector<16xi32>
      %mul3A_297 = arith.muli %get3A_294, %mul3A_296 : vector<16xi32>
      %get3A_298 = arith.constant 256 : index
      %get3A_299 = tpu.vector_load %arg9[%get3A_298] {strides = array<i32>} : memref<384xi32, #tpu.memory_space<vmem>>, vector<16xi32>,
      %get3A_300 = vector.shape_cast %get3A_299 : vector<16xi32> to vector<16xi32>
      %add3A_301 = arith.addi %mul3A_297, %get3A_300 : vector<16xi32>
      %swap3A_302 = arith.constant 2 : i32
      %swap3A_303 = arith.index_cast %swap3A_302 : i32 to index
      %swap3A_304 = arith.constant 0 : index
      %swap3A_305 = tpu.vector_load %arg10[%swap3A_303, %swap3A_304] {strides = array<i32>} : memref<3x128xi32, #tpu.memory_space<vmem>>, vector<1x16xi32>,
      %swap3A_306 = vector.shape_cast %swap3A_305 : vector<1x16xi32> to vector<16xi32>
      %swap3A_307 = vector.shape_cast %add3A_301 : vector<16xi32> to vector<1x16xi32>
      tpu.vector_store %arg10[%swap3A_303, %swap3A_304], %swap3A_307 {strides = array<i32>} : memref<3x128xi32, #tpu.memory_space<vmem>>, vector<1x16xi32>,
      %get3A_308 = arith.constant 272 : index
      %get3A_309 = tpu.vector_load %arg8[%get3A_308] {strides = array<i32>} : memref<384xi32, #tpu.memory_space<vmem>>, vector<16xi32>,
      %get3A_310 = vector.shape_cast %get3A_309 : vector<16xi32> to vector<16xi32>
      %mul3A_311 = arith.constant 128 : i32
      %mul3A_312 = vector.broadcast %mul3A_311 : i32 to vector<16xi32>
      %mul3A_313 = arith.muli %get3A_310, %mul3A_312 : vector<16xi32>
      %get3A_314 = arith.constant 272 : index
      %get3A_315 = tpu.vector_load %arg9[%get3A_314] {strides = array<i32>} : memref<384xi32, #tpu.memory_space<vmem>>, vector<16xi32>,
      %get3A_316 = vector.shape_cast %get3A_315 : vector<16xi32> to vector<16xi32>
      %add3A_317 = arith.addi %mul3A_313, %get3A_316 : vector<16xi32>
      %swap3A_318 = arith.constant 2 : i32
      %swap3A_319 = arith.index_cast %swap3A_318 : i32 to index
      %swap3A_320 = arith.constant 16 : index
      %swap3A_321 = tpu.vector_load %arg10[%swap3A_319, %swap3A_320] {strides = array<i32>} : memref<3x128xi32, #tpu.memory_space<vmem>>, vector<1x16xi32>,
      %swap3A_322 = vector.shape_cast %swap3A_321 : vector<1x16xi32> to vector<16xi32>
      %swap3A_323 = vector.shape_cast %add3A_317 : vector<16xi32> to vector<1x16xi32>
      tpu.vector_store %arg10[%swap3A_319, %swap3A_320], %swap3A_323 {strides = array<i32>} : memref<3x128xi32, #tpu.memory_space<vmem>>, vector<1x16xi32>,
      %get3A_324 = arith.constant 288 : index
      %get3A_325 = tpu.vector_load %arg8[%get3A_324] {strides = array<i32>} : memref<384xi32, #tpu.memory_space<vmem>>, vector<16xi32>,
      %get3A_326 = vector.shape_cast %get3A_325 : vector<16xi32> to vector<16xi32>
      %mul3A_327 = arith.constant 128 : i32
      %mul3A_328 = vector.broadcast %mul3A_327 : i32 to vector<16xi32>
      %mul3A_329 = arith.muli %get3A_326, %mul3A_328 : vector<16xi32>
      %get3A_330 = arith.constant 288 : index
      %get3A_331 = tpu.vector_load %arg9[%get3A_330] {strides = array<i32>} : memref<384xi32, #tpu.memory_space<vmem>>, vector<16xi32>,
      %get3A_332 = vector.shape_cast %get3A_331 : vector<16xi32> to vector<16xi32>
      %add3A_333 = arith.addi %mul3A_329, %get3A_332 : vector<16xi32>
      %swap3A_334 = arith.constant 2 : i32
      %swap3A_335 = arith.index_cast %swap3A_334 : i32 to index
      %swap3A_336 = arith.constant 32 : index
      %swap3A_337 = tpu.vector_load %arg10[%swap3A_335, %swap3A_336] {strides = array<i32>} : memref<3x128xi32, #tpu.memory_space<vmem>>, vector<1x16xi32>,
      %swap3A_338 = vector.shape_cast %swap3A_337 : vector<1x16xi32> to vector<16xi32>
      %swap3A_339 = vector.shape_cast %add3A_333 : vector<16xi32> to vector<1x16xi32>
      tpu.vector_store %arg10[%swap3A_335, %swap3A_336], %swap3A_339 {strides = array<i32>} : memref<3x128xi32, #tpu.memory_space<vmem>>, vector<1x16xi32>,
      %get3A_340 = arith.constant 304 : index
      %get3A_341 = tpu.vector_load %arg8[%get3A_340] {strides = array<i32>} : memref<384xi32, #tpu.memory_space<vmem>>, vector<16xi32>,
      %get3A_342 = vector.shape_cast %get3A_341 : vector<16xi32> to vector<16xi32>
      %mul3A_343 = arith.constant 128 : i32
      %mul3A_344 = vector.broadcast %mul3A_343 : i32 to vector<16xi32>
      %mul3A_345 = arith.muli %get3A_342, %mul3A_344 : vector<16xi32>
      %get3A_346 = arith.constant 304 : index
      %get3A_347 = tpu.vector_load %arg9[%get3A_346] {strides = array<i32>} : memref<384xi32, #tpu.memory_space<vmem>>, vector<16xi32>,
      %get3A_348 = vector.shape_cast %get3A_347 : vector<16xi32> to vector<16xi32>
      %add3A_349 = arith.addi %mul3A_345, %get3A_348 : vector<16xi32>
      %swap3A_350 = arith.constant 2 : i32
      %swap3A_351 = arith.index_cast %swap3A_350 : i32 to index
      %swap3A_352 = arith.constant 48 : index
      %swap3A_353 = tpu.vector_load %arg10[%swap3A_351, %swap3A_352] {strides = array<i32>} : memref<3x128xi32, #tpu.memory_space<vmem>>, vector<1x16xi32>,
      %swap3A_354 = vector.shape_cast %swap3A_353 : vector<1x16xi32> to vector<16xi32>
      %swap3A_355 = vector.shape_cast %add3A_349 : vector<16xi32> to vector<1x16xi32>
      tpu.vector_store %arg10[%swap3A_351, %swap3A_352], %swap3A_355 {strides = array<i32>} : memref<3x128xi32, #tpu.memory_space<vmem>>, vector<1x16xi32>,
      %get3A_356 = arith.constant 320 : index
      %get3A_357 = tpu.vector_load %arg8[%get3A_356] {strides = array<i32>} : memref<384xi32, #tpu.memory_space<vmem>>, vector<16xi32>,
      %get3A_358 = vector.shape_cast %get3A_357 : vector<16xi32> to vector<16xi32>
      %mul3A_359 = arith.constant 128 : i32
      %mul3A_360 = vector.broadcast %mul3A_359 : i32 to vector<16xi32>
      %mul3A_361 = arith.muli %get3A_358, %mul3A_360 : vector<16xi32>
      %get3A_362 = arith.constant 320 : index
      %get3A_363 = tpu.vector_load %arg9[%get3A_362] {strides = array<i32>} : memref<384xi32, #tpu.memory_space<vmem>>, vector<16xi32>,
      %get3A_364 = vector.shape_cast %get3A_363 : vector<16xi32> to vector<16xi32>
      %add3A_365 = arith.addi %mul3A_361, %get3A_364 : vector<16xi32>
      %swap3A_366 = arith.constant 2 : i32
      %swap3A_367 = arith.index_cast %swap3A_366 : i32 to index
      %swap3A_368 = arith.constant 64 : index
      %swap3A_369 = tpu.vector_load %arg10[%swap3A_367, %swap3A_368] {strides = array<i32>} : memref<3x128xi32, #tpu.memory_space<vmem>>, vector<1x16xi32>,
      %swap3A_370 = vector.shape_cast %swap3A_369 : vector<1x16xi32> to vector<16xi32>
      %swap3A_371 = vector.shape_cast %add3A_365 : vector<16xi32> to vector<1x16xi32>
      tpu.vector_store %arg10[%swap3A_367, %swap3A_368], %swap3A_371 {strides = array<i32>} : memref<3x128xi32, #tpu.memory_space<vmem>>, vector<1x16xi32>,
      %get3A_372 = arith.constant 336 : index
      %get3A_373 = tpu.vector_load %arg8[%get3A_372] {strides = array<i32>} : memref<384xi32, #tpu.memory_space<vmem>>, vector<16xi32>,
      %get3A_374 = vector.shape_cast %get3A_373 : vector<16xi32> to vector<16xi32>
      %mul3A_375 = arith.constant 128 : i32
      %mul3A_376 = vector.broadcast %mul3A_375 : i32 to vector<16xi32>
      %mul3A_377 = arith.muli %get3A_374, %mul3A_376 : vector<16xi32>
      %get3A_378 = arith.constant 336 : index
      %get3A_379 = tpu.vector_load %arg9[%get3A_378] {strides = array<i32>} : memref<384xi32, #tpu.memory_space<vmem>>, vector<16xi32>,
      %get3A_380 = vector.shape_cast %get3A_379 : vector<16xi32> to vector<16xi32>
      %add3A_381 = arith.addi %mul3A_377, %get3A_380 : vector<16xi32>
      %swap3A_382 = arith.constant 2 : i32
      %swap3A_383 = arith.index_cast %swap3A_382 : i32 to index
      %swap3A_384 = arith.constant 80 : index
      %swap3A_385 = tpu.vector_load %arg10[%swap3A_383, %swap3A_384] {strides = array<i32>} : memref<3x128xi32, #tpu.memory_space<vmem>>, vector<1x16xi32>,
      %swap3A_386 = vector.shape_cast %swap3A_385 : vector<1x16xi32> to vector<16xi32>
      %swap3A_387 = vector.shape_cast %add3A_381 : vector<16xi32> to vector<1x16xi32>
      tpu.vector_store %arg10[%swap3A_383, %swap3A_384], %swap3A_387 {strides = array<i32>} : memref<3x128xi32, #tpu.memory_space<vmem>>, vector<1x16xi32>,
      %get3A_388 = arith.constant 352 : index
      %get3A_389 = tpu.vector_load %arg8[%get3A_388] {strides = array<i32>} : memref<384xi32, #tpu.memory_space<vmem>>, vector<16xi32>,
      %get3A_390 = vector.shape_cast %get3A_389 : vector<16xi32> to vector<16xi32>
      %mul3A_391 = arith.constant 128 : i32
      %mul3A_392 = vector.broadcast %mul3A_391 : i32 to vector<16xi32>
      %mul3A_393 = arith.muli %get3A_390, %mul3A_392 : vector<16xi32>
      %get3A_394 = arith.constant 352 : index
      %get3A_395 = tpu.vector_load %arg9[%get3A_394] {strides = array<i32>} : memref<384xi32, #tpu.memory_space<vmem>>, vector<16xi32>,
      %get3A_396 = vector.shape_cast %get3A_395 : vector<16xi32> to vector<16xi32>
      %add3A_397 = arith.addi %mul3A_393, %get3A_396 : vector<16xi32>
      %swap3A_398 = arith.constant 2 : i32
      %swap3A_399 = arith.index_cast %swap3A_398 : i32 to index
      %swap3A_400 = arith.constant 96 : index
      %swap3A_401 = tpu.vector_load %arg10[%swap3A_399, %swap3A_400] {strides = array<i32>} : memref<3x128xi32, #tpu.memory_space<vmem>>, vector<1x16xi32>,
      %swap3A_402 = vector.shape_cast %swap3A_401 : vector<1x16xi32> to vector<16xi32>
      %swap3A_403 = vector.shape_cast %add3A_397 : vector<16xi32> to vector<1x16xi32>
      tpu.vector_store %arg10[%swap3A_399, %swap3A_400], %swap3A_403 {strides = array<i32>} : memref<3x128xi32, #tpu.memory_space<vmem>>, vector<1x16xi32>,
      %get3A_404 = arith.constant 368 : index
      %get3A_405 = tpu.vector_load %arg8[%get3A_404] {strides = array<i32>} : memref<384xi32, #tpu.memory_space<vmem>>, vector<16xi32>,
      %get3A_406 = vector.shape_cast %get3A_405 : vector<16xi32> to vector<16xi32>
      %mul3A_407 = arith.constant 128 : i32
      %mul3A_408 = vector.broadcast %mul3A_407 : i32 to vector<16xi32>
      %mul3A_409 = arith.muli %get3A_406, %mul3A_408 : vector<16xi32>
      %get3A_410 = arith.constant 368 : index
      %get3A_411 = tpu.vector_load %arg9[%get3A_410] {strides = array<i32>} : memref<384xi32, #tpu.memory_space<vmem>>, vector<16xi32>,
      %get3A_412 = vector.shape_cast %get3A_411 : vector<16xi32> to vector<16xi32>
      %add3A_413 = arith.addi %mul3A_409, %get3A_412 : vector<16xi32>
      %swap3A_414 = arith.constant 2 : i32
      %swap3A_415 = arith.index_cast %swap3A_414 : i32 to index
      %swap3A_416 = arith.constant 112 : index
      %swap3A_417 = tpu.vector_load %arg10[%swap3A_415, %swap3A_416] {strides = array<i32>} : memref<3x128xi32, #tpu.memory_space<vmem>>, vector<1x16xi32>,
      %swap3A_418 = vector.shape_cast %swap3A_417 : vector<1x16xi32> to vector<16xi32>
      %swap3A_419 = vector.shape_cast %add3A_413 : vector<16xi32> to vector<1x16xi32>
      tpu.vector_store %arg10[%swap3A_415, %swap3A_416], %swap3A_419 {strides = array<i32>} : memref<3x128xi32, #tpu.memory_space<vmem>>, vector<1x16xi32>,
      %run_scoped3A = arith.constant 0 : i32
      "tpu.region"() ({
        %run_scoped3A_423 = tpu.sem_alloc : memref<!tpu.dma_semaphore, #tpu.memory_space<semaphore_mem>>
        %dma_start3A = arith.constant 0 : i32
        %dma_start3A_424 = arith.constant 0 : i32
        %dma_start3A_425 = tpu.memref_slice %arg7[%dma_start3A, %dma_start3A_424] : memref<384x80xf32, #tpu.memory_space<vmem>> -> memref<128x80xf32, #tpu.memory_space<vmem>>
        %dma_start3A_426 = arith.constant 0 : i32
        %dma_start3A_427 = tpu.memref_slice %arg10[%run_scoped3A, %dma_start3A_426] : memref<3x128xi32, #tpu.memory_space<vmem>> -> memref<1x128xi32, #tpu.memory_space<vmem>>
        %dma_start3A_428 = tpu.memref_squeeze %dma_start3A_427 : memref<1x128xi32, #tpu.memory_space<vmem>> -> memref<128xi32, #tpu.memory_space<vmem>>
        %dma_start3A_429 = arith.constant 0 : i32
        %dma_start3A_430 = arith.constant 0 : i32
        %dma_start3A_431 = tpu.memref_slice %arg6[%dma_start3A_429, %dma_start3A_430] : memref<16384x80xf32, #tpu.memory_space<vmem_shared>> -> memref<16384x80xf32, #tpu.memory_space<vmem_shared>>
        tpu.enqueue_indirect_dma source(%dma_start3A_425 : memref<128x80xf32, #tpu.memory_space<vmem>>) target(%dma_start3A_431 : memref<16384x80xf32, #tpu.memory_space<vmem_shared>>) offsets(%dma_start3A_428 : memref<128xi32, #tpu.memory_space<vmem>>) semaphore(%run_scoped3A_423 : memref<!tpu.dma_semaphore, #tpu.memory_space<semaphore_mem>>) {add = true}
        %dma_wait3A = arith.constant 0 : i32
        %dma_wait3A_432 = arith.constant 0 : i32
        %dma_wait3A_433 = tpu.memref_slice %arg7[%dma_wait3A, %dma_wait3A_432] : memref<384x80xf32, #tpu.memory_space<vmem>> -> memref<128x80xf32, #tpu.memory_space<vmem>>
        %dma_wait3A_434 = arith.constant 0 : i32
        %dma_wait3A_435 = tpu.memref_slice %arg10[%run_scoped3A, %dma_wait3A_434] : memref<3x128xi32, #tpu.memory_space<vmem>> -> memref<1x128xi32, #tpu.memory_space<vmem>>
        %dma_wait3A_436 = tpu.memref_squeeze %dma_wait3A_435 : memref<1x128xi32, #tpu.memory_space<vmem>> -> memref<128xi32, #tpu.memory_space<vmem>>
        %dma_wait3A_437 = arith.constant 0 : i32
        %dma_wait3A_438 = arith.constant 0 : i32
        %dma_wait3A_439 = tpu.memref_slice %arg6[%dma_wait3A_437, %dma_wait3A_438] : memref<16384x80xf32, #tpu.memory_space<vmem_shared>> -> memref<16384x80xf32, #tpu.memory_space<vmem_shared>>
        tpu.wait_indirect_dma semaphore(%run_scoped3A_423 : memref<!tpu.dma_semaphore, #tpu.memory_space<semaphore_mem>>) src(%dma_wait3A_433 : memref<128x80xf32, #tpu.memory_space<vmem>>) dst(%dma_wait3A_439 : memref<16384x80xf32, #tpu.memory_space<vmem_shared>>)
        tpu.yield
      }) : () -> ()
      %run_scoped3A_420 = arith.constant 1 : i32
      "tpu.region"() ({
        %run_scoped3A_423 = tpu.sem_alloc : memref<!tpu.dma_semaphore, #tpu.memory_space<semaphore_mem>>
        %dma_start3A = arith.constant 128 : i32
        %dma_start3A_424 = arith.constant 0 : i32
        %dma_start3A_425 = tpu.memref_slice %arg7[%dma_start3A, %dma_start3A_424] : memref<384x80xf32, #tpu.memory_space<vmem>> -> memref<128x80xf32, #tpu.memory_space<vmem>>
        %dma_start3A_426 = arith.constant 0 : i32
        %dma_start3A_427 = tpu.memref_slice %arg10[%run_scoped3A_420, %dma_start3A_426] : memref<3x128xi32, #tpu.memory_space<vmem>> -> memref<1x128xi32, #tpu.memory_space<vmem>>
        %dma_start3A_428 = tpu.memref_squeeze %dma_start3A_427 : memref<1x128xi32, #tpu.memory_space<vmem>> -> memref<128xi32, #tpu.memory_space<vmem>>
        %dma_start3A_429 = arith.constant 0 : i32
        %dma_start3A_430 = arith.constant 0 : i32
        %dma_start3A_431 = tpu.memref_slice %arg6[%dma_start3A_429, %dma_start3A_430] : memref<16384x80xf32, #tpu.memory_space<vmem_shared>> -> memref<16384x80xf32, #tpu.memory_space<vmem_shared>>
        tpu.enqueue_indirect_dma source(%dma_start3A_425 : memref<128x80xf32, #tpu.memory_space<vmem>>) target(%dma_start3A_431 : memref<16384x80xf32, #tpu.memory_space<vmem_shared>>) offsets(%dma_start3A_428 : memref<128xi32, #tpu.memory_space<vmem>>) semaphore(%run_scoped3A_423 : memref<!tpu.dma_semaphore, #tpu.memory_space<semaphore_mem>>) {add = true}
        %dma_wait3A = arith.constant 128 : i32
        %dma_wait3A_432 = arith.constant 0 : i32
        %dma_wait3A_433 = tpu.memref_slice %arg7[%dma_wait3A, %dma_wait3A_432] : memref<384x80xf32, #tpu.memory_space<vmem>> -> memref<128x80xf32, #tpu.memory_space<vmem>>
        %dma_wait3A_434 = arith.constant 0 : i32
        %dma_wait3A_435 = tpu.memref_slice %arg10[%run_scoped3A_420, %dma_wait3A_434] : memref<3x128xi32, #tpu.memory_space<vmem>> -> memref<1x128xi32, #tpu.memory_space<vmem>>
        %dma_wait3A_436 = tpu.memref_squeeze %dma_wait3A_435 : memref<1x128xi32, #tpu.memory_space<vmem>> -> memref<128xi32, #tpu.memory_space<vmem>>
        %dma_wait3A_437 = arith.constant 0 : i32
        %dma_wait3A_438 = arith.constant 0 : i32
        %dma_wait3A_439 = tpu.memref_slice %arg6[%dma_wait3A_437, %dma_wait3A_438] : memref<16384x80xf32, #tpu.memory_space<vmem_shared>> -> memref<16384x80xf32, #tpu.memory_space<vmem_shared>>
        tpu.wait_indirect_dma semaphore(%run_scoped3A_423 : memref<!tpu.dma_semaphore, #tpu.memory_space<semaphore_mem>>) src(%dma_wait3A_433 : memref<128x80xf32, #tpu.memory_space<vmem>>) dst(%dma_wait3A_439 : memref<16384x80xf32, #tpu.memory_space<vmem_shared>>)
        tpu.yield
      }) : () -> ()
      %run_scoped3A_421 = arith.constant 2 : i32
      "tpu.region"() ({
        %run_scoped3A_423 = tpu.sem_alloc : memref<!tpu.dma_semaphore, #tpu.memory_space<semaphore_mem>>
        %dma_start3A = arith.constant 256 : i32
        %dma_start3A_424 = arith.constant 0 : i32
        %dma_start3A_425 = tpu.memref_slice %arg7[%dma_start3A, %dma_start3A_424] : memref<384x80xf32, #tpu.memory_space<vmem>> -> memref<128x80xf32, #tpu.memory_space<vmem>>
        %dma_start3A_426 = arith.constant 0 : i32
        %dma_start3A_427 = tpu.memref_slice %arg10[%run_scoped3A_421, %dma_start3A_426] : memref<3x128xi32, #tpu.memory_space<vmem>> -> memref<1x128xi32, #tpu.memory_space<vmem>>
        %dma_start3A_428 = tpu.memref_squeeze %dma_start3A_427 : memref<1x128xi32, #tpu.memory_space<vmem>> -> memref<128xi32, #tpu.memory_space<vmem>>
        %dma_start3A_429 = arith.constant 0 : i32
        %dma_start3A_430 = arith.constant 0 : i32
        %dma_start3A_431 = tpu.memref_slice %arg6[%dma_start3A_429, %dma_start3A_430] : memref<16384x80xf32, #tpu.memory_space<vmem_shared>> -> memref<16384x80xf32, #tpu.memory_space<vmem_shared>>
        tpu.enqueue_indirect_dma source(%dma_start3A_425 : memref<128x80xf32, #tpu.memory_space<vmem>>) target(%dma_start3A_431 : memref<16384x80xf32, #tpu.memory_space<vmem_shared>>) offsets(%dma_start3A_428 : memref<128xi32, #tpu.memory_space<vmem>>) semaphore(%run_scoped3A_423 : memref<!tpu.dma_semaphore, #tpu.memory_space<semaphore_mem>>) {add = true}
        %dma_wait3A = arith.constant 256 : i32
        %dma_wait3A_432 = arith.constant 0 : i32
        %dma_wait3A_433 = tpu.memref_slice %arg7[%dma_wait3A, %dma_wait3A_432] : memref<384x80xf32, #tpu.memory_space<vmem>> -> memref<128x80xf32, #tpu.memory_space<vmem>>
        %dma_wait3A_434 = arith.constant 0 : i32
        %dma_wait3A_435 = tpu.memref_slice %arg10[%run_scoped3A_421, %dma_wait3A_434] : memref<3x128xi32, #tpu.memory_space<vmem>> -> memref<1x128xi32, #tpu.memory_space<vmem>>
        %dma_wait3A_436 = tpu.memref_squeeze %dma_wait3A_435 : memref<1x128xi32, #tpu.memory_space<vmem>> -> memref<128xi32, #tpu.memory_space<vmem>>
        %dma_wait3A_437 = arith.constant 0 : i32
        %dma_wait3A_438 = arith.constant 0 : i32
        %dma_wait3A_439 = tpu.memref_slice %arg6[%dma_wait3A_437, %dma_wait3A_438] : memref<16384x80xf32, #tpu.memory_space<vmem_shared>> -> memref<16384x80xf32, #tpu.memory_space<vmem_shared>>
        tpu.wait_indirect_dma semaphore(%run_scoped3A_423 : memref<!tpu.dma_semaphore, #tpu.memory_space<semaphore_mem>>) src(%dma_wait3A_433 : memref<128x80xf32, #tpu.memory_space<vmem>>) dst(%dma_wait3A_439 : memref<16384x80xf32, #tpu.memory_space<vmem_shared>>)
        tpu.yield
      }) : () -> ()
      %while3A_422 = arith.constant 0 : i32
      scf.yield %while3A_422 : i32
    }
    %while3A_28 = arith.constant 1 : i32
    %while3A_29 = scf.for %while3A_31 = %while3A_25 to %while3A_21 step %while3A_28 iter_args(%while3A_32 = %while3A_27) -> (i32)  : i32 {
      %mul3A_33 = arith.constant 32 : i32
      %mul3A_34 = arith.muli %mul3A_33, %while3A_31 : i32
      %add3A_35 = arith.addi %add3A, %mul3A_34 : i32
      %mul3A_36 = arith.constant 384 : i32
      %mul3A_37 = arith.muli %add3A_35, %mul3A_36 : i32
      "tpu.region"() ({
        %run_scoped3A_423 = tpu.sem_alloc : memref<!tpu.dma_semaphore, #tpu.memory_space<semaphore_mem>>
        %dma_start3A = arith.constant 0 : i32
        %dma_start3A_424 = tpu.memref_slice %arg2[%mul3A_37, %dma_start3A] : memref<249216x80xf32, #tpu.memory_space<hbm>> -> memref<384x80xf32, #tpu.memory_space<hbm>>
        %dma_start3A_425 = arith.constant 0 : i32
        %dma_start3A_426 = tpu.memref_slice %arg2[%mul3A_37, %dma_start3A_425] : memref<249216x80xf32, #tpu.memory_space<hbm>> -> memref<384x80xf32, #tpu.memory_space<hbm>>
        tpu.enqueue_dma source(%dma_start3A_426 : memref<384x80xf32, #tpu.memory_space<hbm>>) target(%arg7 : memref<384x80xf32, #tpu.memory_space<vmem>>) target_semaphore(%run_scoped3A_423 : memref<!tpu.dma_semaphore, #tpu.memory_space<semaphore_mem>>)
        %dma_wait3A = arith.constant 0 : i32
        %dma_wait3A_427 = tpu.memref_slice %arg2[%mul3A_37, %dma_wait3A] : memref<249216x80xf32, #tpu.memory_space<hbm>> -> memref<384x80xf32, #tpu.memory_space<hbm>>
        %dma_wait3A_428 = arith.constant 0 : i32
        %dma_wait3A_429 = tpu.memref_slice %arg2[%mul3A_37, %dma_wait3A_428] : memref<249216x80xf32, #tpu.memory_space<hbm>> -> memref<384x80xf32, #tpu.memory_space<hbm>>
        tpu.wait_dma2 semaphore(%run_scoped3A_423 : memref<!tpu.dma_semaphore, #tpu.memory_space<semaphore_mem>>) src(%dma_wait3A_429 : memref<384x80xf32, #tpu.memory_space<hbm>>) dst(%arg7 : memref<384x80xf32, #tpu.memory_space<vmem>>)
        tpu.yield
      }) : () -> ()
      "tpu.region"() ({
        %run_scoped3A_423 = tpu.sem_alloc : memref<!tpu.dma_semaphore, #tpu.memory_space<semaphore_mem>>
        %dma_start3A = tpu.memref_slice %arg3[%mul3A_37] : memref<249216xi32, #tpu.memory_space<hbm>> -> memref<384xi32, #tpu.memory_space<hbm>>
        %dma_start3A_424 = tpu.memref_slice %arg3[%mul3A_37] : memref<249216xi32, #tpu.memory_space<hbm>> -> memref<384xi32, #tpu.memory_space<hbm>>
        tpu.enqueue_dma source(%dma_start3A_424 : memref<384xi32, #tpu.memory_space<hbm>>) target(%arg8 : memref<384xi32, #tpu.memory_space<vmem>>) target_semaphore(%run_scoped3A_423 : memref<!tpu.dma_semaphore, #tpu.memory_space<semaphore_mem>>)
        %dma_wait3A = tpu.memref_slice %arg3[%mul3A_37] : memref<249216xi32, #tpu.memory_space<hbm>> -> memref<384xi32, #tpu.memory_space<hbm>>
        %dma_wait3A_425 = tpu.memref_slice %arg3[%mul3A_37] : memref<249216xi32, #tpu.memory_space<hbm>> -> memref<384xi32, #tpu.memory_space<hbm>>
        tpu.wait_dma2 semaphore(%run_scoped3A_423 : memref<!tpu.dma_semaphore, #tpu.memory_space<semaphore_mem>>) src(%dma_wait3A_425 : memref<384xi32, #tpu.memory_space<hbm>>) dst(%arg8 : memref<384xi32, #tpu.memory_space<vmem>>)
        tpu.yield
      }) : () -> ()
      "tpu.region"() ({
        %run_scoped3A_423 = tpu.sem_alloc : memref<!tpu.dma_semaphore, #tpu.memory_space<semaphore_mem>>
        %dma_start3A = tpu.memref_slice %arg4[%mul3A_37] : memref<249216xi32, #tpu.memory_space<hbm>> -> memref<384xi32, #tpu.memory_space<hbm>>
        %dma_start3A_424 = tpu.memref_slice %arg4[%mul3A_37] : memref<249216xi32, #tpu.memory_space<hbm>> -> memref<384xi32, #tpu.memory_space<hbm>>
        tpu.enqueue_dma source(%dma_start3A_424 : memref<384xi32, #tpu.memory_space<hbm>>) target(%arg9 : memref<384xi32, #tpu.memory_space<vmem>>) target_semaphore(%run_scoped3A_423 : memref<!tpu.dma_semaphore, #tpu.memory_space<semaphore_mem>>)
        %dma_wait3A = tpu.memref_slice %arg4[%mul3A_37] : memref<249216xi32, #tpu.memory_space<hbm>> -> memref<384xi32, #tpu.memory_space<hbm>>
        %dma_wait3A_425 = tpu.memref_slice %arg4[%mul3A_37] : memref<249216xi32, #tpu.memory_space<hbm>> -> memref<384xi32, #tpu.memory_space<hbm>>
        tpu.wait_dma2 semaphore(%run_scoped3A_423 : memref<!tpu.dma_semaphore, #tpu.memory_space<semaphore_mem>>) src(%dma_wait3A_425 : memref<384xi32, #tpu.memory_space<hbm>>) dst(%arg9 : memref<384xi32, #tpu.memory_space<vmem>>)
        tpu.yield
      }) : () -> ()
      %get3A = arith.constant 0 : index
      %get3A_38 = tpu.vector_load %arg8[%get3A] {strides = array<i32>} : memref<384xi32, #tpu.memory_space<vmem>>, vector<16xi32>,
      %get3A_39 = vector.shape_cast %get3A_38 : vector<16xi32> to vector<16xi32>
      %mul3A_40 = arith.constant 128 : i32
      %mul3A_41 = vector.broadcast %mul3A_40 : i32 to vector<16xi32>
      %mul3A_42 = arith.muli %get3A_39, %mul3A_41 : vector<16xi32>
      %get3A_43 = arith.constant 0 : index
      %get3A_44 = tpu.vector_load %arg9[%get3A_43] {strides = array<i32>} : memref<384xi32, #tpu.memory_space<vmem>>, vector<16xi32>,
      %get3A_45 = vector.shape_cast %get3A_44 : vector<16xi32> to vector<16xi32>
      %add3A_46 = arith.addi %mul3A_42, %get3A_45 : vector<16xi32>
      %swap3A = arith.constant 0 : i32
      %swap3A_47 = arith.index_cast %swap3A : i32 to index
      %swap3A_48 = arith.constant 0 : index
      %swap3A_49 = tpu.vector_load %arg10[%swap3A_47, %swap3A_48] {strides = array<i32>} : memref<3x128xi32, #tpu.memory_space<vmem>>, vector<1x16xi32>,
      %swap3A_50 = vector.shape_cast %swap3A_49 : vector<1x16xi32> to vector<16xi32>
      %swap3A_51 = vector.shape_cast %add3A_46 : vector<16xi32> to vector<1x16xi32>
      tpu.vector_store %arg10[%swap3A_47, %swap3A_48], %swap3A_51 {strides = array<i32>} : memref<3x128xi32, #tpu.memory_space<vmem>>, vector<1x16xi32>,
      %get3A_52 = arith.constant 16 : index
      %get3A_53 = tpu.vector_load %arg8[%get3A_52] {strides = array<i32>} : memref<384xi32, #tpu.memory_space<vmem>>, vector<16xi32>,
      %get3A_54 = vector.shape_cast %get3A_53 : vector<16xi32> to vector<16xi32>
      %mul3A_55 = arith.constant 128 : i32
      %mul3A_56 = vector.broadcast %mul3A_55 : i32 to vector<16xi32>
      %mul3A_57 = arith.muli %get3A_54, %mul3A_56 : vector<16xi32>
      %get3A_58 = arith.constant 16 : index
      %get3A_59 = tpu.vector_load %arg9[%get3A_58] {strides = array<i32>} : memref<384xi32, #tpu.memory_space<vmem>>, vector<16xi32>,
      %get3A_60 = vector.shape_cast %get3A_59 : vector<16xi32> to vector<16xi32>
      %add3A_61 = arith.addi %mul3A_57, %get3A_60 : vector<16xi32>
      %swap3A_62 = arith.constant 0 : i32
      %swap3A_63 = arith.index_cast %swap3A_62 : i32 to index
      %swap3A_64 = arith.constant 16 : index
      %swap3A_65 = tpu.vector_load %arg10[%swap3A_63, %swap3A_64] {strides = array<i32>} : memref<3x128xi32, #tpu.memory_space<vmem>>, vector<1x16xi32>,
      %swap3A_66 = vector.shape_cast %swap3A_65 : vector<1x16xi32> to vector<16xi32>
      %swap3A_67 = vector.shape_cast %add3A_61 : vector<16xi32> to vector<1x16xi32>
      tpu.vector_store %arg10[%swap3A_63, %swap3A_64], %swap3A_67 {strides = array<i32>} : memref<3x128xi32, #tpu.memory_space<vmem>>, vector<1x16xi32>,
      %get3A_68 = arith.constant 32 : index
      %get3A_69 = tpu.vector_load %arg8[%get3A_68] {strides = array<i32>} : memref<384xi32, #tpu.memory_space<vmem>>, vector<16xi32>,
      %get3A_70 = vector.shape_cast %get3A_69 : vector<16xi32> to vector<16xi32>
      %mul3A_71 = arith.constant 128 : i32
      %mul3A_72 = vector.broadcast %mul3A_71 : i32 to vector<16xi32>
      %mul3A_73 = arith.muli %get3A_70, %mul3A_72 : vector<16xi32>
      %get3A_74 = arith.constant 32 : index
      %get3A_75 = tpu.vector_load %arg9[%get3A_74] {strides = array<i32>} : memref<384xi32, #tpu.memory_space<vmem>>, vector<16xi32>,
      %get3A_76 = vector.shape_cast %get3A_75 : vector<16xi32> to vector<16xi32>
      %add3A_77 = arith.addi %mul3A_73, %get3A_76 : vector<16xi32>
      %swap3A_78 = arith.constant 0 : i32
      %swap3A_79 = arith.index_cast %swap3A_78 : i32 to index
      %swap3A_80 = arith.constant 32 : index
      %swap3A_81 = tpu.vector_load %arg10[%swap3A_79, %swap3A_80] {strides = array<i32>} : memref<3x128xi32, #tpu.memory_space<vmem>>, vector<1x16xi32>,
      %swap3A_82 = vector.shape_cast %swap3A_81 : vector<1x16xi32> to vector<16xi32>
      %swap3A_83 = vector.shape_cast %add3A_77 : vector<16xi32> to vector<1x16xi32>
      tpu.vector_store %arg10[%swap3A_79, %swap3A_80], %swap3A_83 {strides = array<i32>} : memref<3x128xi32, #tpu.memory_space<vmem>>, vector<1x16xi32>,
      %get3A_84 = arith.constant 48 : index
      %get3A_85 = tpu.vector_load %arg8[%get3A_84] {strides = array<i32>} : memref<384xi32, #tpu.memory_space<vmem>>, vector<16xi32>,
      %get3A_86 = vector.shape_cast %get3A_85 : vector<16xi32> to vector<16xi32>
      %mul3A_87 = arith.constant 128 : i32
      %mul3A_88 = vector.broadcast %mul3A_87 : i32 to vector<16xi32>
      %mul3A_89 = arith.muli %get3A_86, %mul3A_88 : vector<16xi32>
      %get3A_90 = arith.constant 48 : index
      %get3A_91 = tpu.vector_load %arg9[%get3A_90] {strides = array<i32>} : memref<384xi32, #tpu.memory_space<vmem>>, vector<16xi32>,
      %get3A_92 = vector.shape_cast %get3A_91 : vector<16xi32> to vector<16xi32>
      %add3A_93 = arith.addi %mul3A_89, %get3A_92 : vector<16xi32>
      %swap3A_94 = arith.constant 0 : i32
      %swap3A_95 = arith.index_cast %swap3A_94 : i32 to index
      %swap3A_96 = arith.constant 48 : index
      %swap3A_97 = tpu.vector_load %arg10[%swap3A_95, %swap3A_96] {strides = array<i32>} : memref<3x128xi32, #tpu.memory_space<vmem>>, vector<1x16xi32>,
      %swap3A_98 = vector.shape_cast %swap3A_97 : vector<1x16xi32> to vector<16xi32>
      %swap3A_99 = vector.shape_cast %add3A_93 : vector<16xi32> to vector<1x16xi32>
      tpu.vector_store %arg10[%swap3A_95, %swap3A_96], %swap3A_99 {strides = array<i32>} : memref<3x128xi32, #tpu.memory_space<vmem>>, vector<1x16xi32>,
      %get3A_100 = arith.constant 64 : index
      %get3A_101 = tpu.vector_load %arg8[%get3A_100] {strides = array<i32>} : memref<384xi32, #tpu.memory_space<vmem>>, vector<16xi32>,
      %get3A_102 = vector.shape_cast %get3A_101 : vector<16xi32> to vector<16xi32>
      %mul3A_103 = arith.constant 128 : i32
      %mul3A_104 = vector.broadcast %mul3A_103 : i32 to vector<16xi32>
      %mul3A_105 = arith.muli %get3A_102, %mul3A_104 : vector<16xi32>
      %get3A_106 = arith.constant 64 : index
      %get3A_107 = tpu.vector_load %arg9[%get3A_106] {strides = array<i32>} : memref<384xi32, #tpu.memory_space<vmem>>, vector<16xi32>,
      %get3A_108 = vector.shape_cast %get3A_107 : vector<16xi32> to vector<16xi32>
      %add3A_109 = arith.addi %mul3A_105, %get3A_108 : vector<16xi32>
      %swap3A_110 = arith.constant 0 : i32
      %swap3A_111 = arith.index_cast %swap3A_110 : i32 to index
      %swap3A_112 = arith.constant 64 : index
      %swap3A_113 = tpu.vector_load %arg10[%swap3A_111, %swap3A_112] {strides = array<i32>} : memref<3x128xi32, #tpu.memory_space<vmem>>, vector<1x16xi32>,
      %swap3A_114 = vector.shape_cast %swap3A_113 : vector<1x16xi32> to vector<16xi32>
      %swap3A_115 = vector.shape_cast %add3A_109 : vector<16xi32> to vector<1x16xi32>
      tpu.vector_store %arg10[%swap3A_111, %swap3A_112], %swap3A_115 {strides = array<i32>} : memref<3x128xi32, #tpu.memory_space<vmem>>, vector<1x16xi32>,
      %get3A_116 = arith.constant 80 : index
      %get3A_117 = tpu.vector_load %arg8[%get3A_116] {strides = array<i32>} : memref<384xi32, #tpu.memory_space<vmem>>, vector<16xi32>,
      %get3A_118 = vector.shape_cast %get3A_117 : vector<16xi32> to vector<16xi32>
      %mul3A_119 = arith.constant 128 : i32
      %mul3A_120 = vector.broadcast %mul3A_119 : i32 to vector<16xi32>
      %mul3A_121 = arith.muli %get3A_118, %mul3A_120 : vector<16xi32>
      %get3A_122 = arith.constant 80 : index
      %get3A_123 = tpu.vector_load %arg9[%get3A_122] {strides = array<i32>} : memref<384xi32, #tpu.memory_space<vmem>>, vector<16xi32>,
      %get3A_124 = vector.shape_cast %get3A_123 : vector<16xi32> to vector<16xi32>
      %add3A_125 = arith.addi %mul3A_121, %get3A_124 : vector<16xi32>
      %swap3A_126 = arith.constant 0 : i32
      %swap3A_127 = arith.index_cast %swap3A_126 : i32 to index
      %swap3A_128 = arith.constant 80 : index
      %swap3A_129 = tpu.vector_load %arg10[%swap3A_127, %swap3A_128] {strides = array<i32>} : memref<3x128xi32, #tpu.memory_space<vmem>>, vector<1x16xi32>,
      %swap3A_130 = vector.shape_cast %swap3A_129 : vector<1x16xi32> to vector<16xi32>
      %swap3A_131 = vector.shape_cast %add3A_125 : vector<16xi32> to vector<1x16xi32>
      tpu.vector_store %arg10[%swap3A_127, %swap3A_128], %swap3A_131 {strides = array<i32>} : memref<3x128xi32, #tpu.memory_space<vmem>>, vector<1x16xi32>,
      %get3A_132 = arith.constant 96 : index
      %get3A_133 = tpu.vector_load %arg8[%get3A_132] {strides = array<i32>} : memref<384xi32, #tpu.memory_space<vmem>>, vector<16xi32>,
      %get3A_134 = vector.shape_cast %get3A_133 : vector<16xi32> to vector<16xi32>
      %mul3A_135 = arith.constant 128 : i32
      %mul3A_136 = vector.broadcast %mul3A_135 : i32 to vector<16xi32>
      %mul3A_137 = arith.muli %get3A_134, %mul3A_136 : vector<16xi32>
      %get3A_138 = arith.constant 96 : index
      %get3A_139 = tpu.vector_load %arg9[%get3A_138] {strides = array<i32>} : memref<384xi32, #tpu.memory_space<vmem>>, vector<16xi32>,
      %get3A_140 = vector.shape_cast %get3A_139 : vector<16xi32> to vector<16xi32>
      %add3A_141 = arith.addi %mul3A_137, %get3A_140 : vector<16xi32>
      %swap3A_142 = arith.constant 0 : i32
      %swap3A_143 = arith.index_cast %swap3A_142 : i32 to index
      %swap3A_144 = arith.constant 96 : index
      %swap3A_145 = tpu.vector_load %arg10[%swap3A_143, %swap3A_144] {strides = array<i32>} : memref<3x128xi32, #tpu.memory_space<vmem>>, vector<1x16xi32>,
      %swap3A_146 = vector.shape_cast %swap3A_145 : vector<1x16xi32> to vector<16xi32>
      %swap3A_147 = vector.shape_cast %add3A_141 : vector<16xi32> to vector<1x16xi32>
      tpu.vector_store %arg10[%swap3A_143, %swap3A_144], %swap3A_147 {strides = array<i32>} : memref<3x128xi32, #tpu.memory_space<vmem>>, vector<1x16xi32>,
      %get3A_148 = arith.constant 112 : index
      %get3A_149 = tpu.vector_load %arg8[%get3A_148] {strides = array<i32>} : memref<384xi32, #tpu.memory_space<vmem>>, vector<16xi32>,
      %get3A_150 = vector.shape_cast %get3A_149 : vector<16xi32> to vector<16xi32>
      %mul3A_151 = arith.constant 128 : i32
      %mul3A_152 = vector.broadcast %mul3A_151 : i32 to vector<16xi32>
      %mul3A_153 = arith.muli %get3A_150, %mul3A_152 : vector<16xi32>
      %get3A_154 = arith.constant 112 : index
      %get3A_155 = tpu.vector_load %arg9[%get3A_154] {strides = array<i32>} : memref<384xi32, #tpu.memory_space<vmem>>, vector<16xi32>,
      %get3A_156 = vector.shape_cast %get3A_155 : vector<16xi32> to vector<16xi32>
      %add3A_157 = arith.addi %mul3A_153, %get3A_156 : vector<16xi32>
      %swap3A_158 = arith.constant 0 : i32
      %swap3A_159 = arith.index_cast %swap3A_158 : i32 to index
      %swap3A_160 = arith.constant 112 : index
      %swap3A_161 = tpu.vector_load %arg10[%swap3A_159, %swap3A_160] {strides = array<i32>} : memref<3x128xi32, #tpu.memory_space<vmem>>, vector<1x16xi32>,
      %swap3A_162 = vector.shape_cast %swap3A_161 : vector<1x16xi32> to vector<16xi32>
      %swap3A_163 = vector.shape_cast %add3A_157 : vector<16xi32> to vector<1x16xi32>
      tpu.vector_store %arg10[%swap3A_159, %swap3A_160], %swap3A_163 {strides = array<i32>} : memref<3x128xi32, #tpu.memory_space<vmem>>, vector<1x16xi32>,
      %get3A_164 = arith.constant 128 : index
      %get3A_165 = tpu.vector_load %arg8[%get3A_164] {strides = array<i32>} : memref<384xi32, #tpu.memory_space<vmem>>, vector<16xi32>,
      %get3A_166 = vector.shape_cast %get3A_165 : vector<16xi32> to vector<16xi32>
      %mul3A_167 = arith.constant 128 : i32
      %mul3A_168 = vector.broadcast %mul3A_167 : i32 to vector<16xi32>
      %mul3A_169 = arith.muli %get3A_166, %mul3A_168 : vector<16xi32>
      %get3A_170 = arith.constant 128 : index
      %get3A_171 = tpu.vector_load %arg9[%get3A_170] {strides = array<i32>} : memref<384xi32, #tpu.memory_space<vmem>>, vector<16xi32>,
      %get3A_172 = vector.shape_cast %get3A_171 : vector<16xi32> to vector<16xi32>
      %add3A_173 = arith.addi %mul3A_169, %get3A_172 : vector<16xi32>
      %swap3A_174 = arith.constant 1 : i32
      %swap3A_175 = arith.index_cast %swap3A_174 : i32 to index
      %swap3A_176 = arith.constant 0 : index
      %swap3A_177 = tpu.vector_load %arg10[%swap3A_175, %swap3A_176] {strides = array<i32>} : memref<3x128xi32, #tpu.memory_space<vmem>>, vector<1x16xi32>,
      %swap3A_178 = vector.shape_cast %swap3A_177 : vector<1x16xi32> to vector<16xi32>
      %swap3A_179 = vector.shape_cast %add3A_173 : vector<16xi32> to vector<1x16xi32>
      tpu.vector_store %arg10[%swap3A_175, %swap3A_176], %swap3A_179 {strides = array<i32>} : memref<3x128xi32, #tpu.memory_space<vmem>>, vector<1x16xi32>,
      %get3A_180 = arith.constant 144 : index
      %get3A_181 = tpu.vector_load %arg8[%get3A_180] {strides = array<i32>} : memref<384xi32, #tpu.memory_space<vmem>>, vector<16xi32>,
      %get3A_182 = vector.shape_cast %get3A_181 : vector<16xi32> to vector<16xi32>
      %mul3A_183 = arith.constant 128 : i32
      %mul3A_184 = vector.broadcast %mul3A_183 : i32 to vector<16xi32>
      %mul3A_185 = arith.muli %get3A_182, %mul3A_184 : vector<16xi32>
      %get3A_186 = arith.constant 144 : index
      %get3A_187 = tpu.vector_load %arg9[%get3A_186] {strides = array<i32>} : memref<384xi32, #tpu.memory_space<vmem>>, vector<16xi32>,
      %get3A_188 = vector.shape_cast %get3A_187 : vector<16xi32> to vector<16xi32>
      %add3A_189 = arith.addi %mul3A_185, %get3A_188 : vector<16xi32>
      %swap3A_190 = arith.constant 1 : i32
      %swap3A_191 = arith.index_cast %swap3A_190 : i32 to index
      %swap3A_192 = arith.constant 16 : index
      %swap3A_193 = tpu.vector_load %arg10[%swap3A_191, %swap3A_192] {strides = array<i32>} : memref<3x128xi32, #tpu.memory_space<vmem>>, vector<1x16xi32>,
      %swap3A_194 = vector.shape_cast %swap3A_193 : vector<1x16xi32> to vector<16xi32>
      %swap3A_195 = vector.shape_cast %add3A_189 : vector<16xi32> to vector<1x16xi32>
      tpu.vector_store %arg10[%swap3A_191, %swap3A_192], %swap3A_195 {strides = array<i32>} : memref<3x128xi32, #tpu.memory_space<vmem>>, vector<1x16xi32>,
      %get3A_196 = arith.constant 160 : index
      %get3A_197 = tpu.vector_load %arg8[%get3A_196] {strides = array<i32>} : memref<384xi32, #tpu.memory_space<vmem>>, vector<16xi32>,
      %get3A_198 = vector.shape_cast %get3A_197 : vector<16xi32> to vector<16xi32>
      %mul3A_199 = arith.constant 128 : i32
      %mul3A_200 = vector.broadcast %mul3A_199 : i32 to vector<16xi32>
      %mul3A_201 = arith.muli %get3A_198, %mul3A_200 : vector<16xi32>
      %get3A_202 = arith.constant 160 : index
      %get3A_203 = tpu.vector_load %arg9[%get3A_202] {strides = array<i32>} : memref<384xi32, #tpu.memory_space<vmem>>, vector<16xi32>,
      %get3A_204 = vector.shape_cast %get3A_203 : vector<16xi32> to vector<16xi32>
      %add3A_205 = arith.addi %mul3A_201, %get3A_204 : vector<16xi32>
      %swap3A_206 = arith.constant 1 : i32
      %swap3A_207 = arith.index_cast %swap3A_206 : i32 to index
      %swap3A_208 = arith.constant 32 : index
      %swap3A_209 = tpu.vector_load %arg10[%swap3A_207, %swap3A_208] {strides = array<i32>} : memref<3x128xi32, #tpu.memory_space<vmem>>, vector<1x16xi32>,
      %swap3A_210 = vector.shape_cast %swap3A_209 : vector<1x16xi32> to vector<16xi32>
      %swap3A_211 = vector.shape_cast %add3A_205 : vector<16xi32> to vector<1x16xi32>
      tpu.vector_store %arg10[%swap3A_207, %swap3A_208], %swap3A_211 {strides = array<i32>} : memref<3x128xi32, #tpu.memory_space<vmem>>, vector<1x16xi32>,
      %get3A_212 = arith.constant 176 : index
      %get3A_213 = tpu.vector_load %arg8[%get3A_212] {strides = array<i32>} : memref<384xi32, #tpu.memory_space<vmem>>, vector<16xi32>,
      %get3A_214 = vector.shape_cast %get3A_213 : vector<16xi32> to vector<16xi32>
      %mul3A_215 = arith.constant 128 : i32
      %mul3A_216 = vector.broadcast %mul3A_215 : i32 to vector<16xi32>
      %mul3A_217 = arith.muli %get3A_214, %mul3A_216 : vector<16xi32>
      %get3A_218 = arith.constant 176 : index
      %get3A_219 = tpu.vector_load %arg9[%get3A_218] {strides = array<i32>} : memref<384xi32, #tpu.memory_space<vmem>>, vector<16xi32>,
      %get3A_220 = vector.shape_cast %get3A_219 : vector<16xi32> to vector<16xi32>
      %add3A_221 = arith.addi %mul3A_217, %get3A_220 : vector<16xi32>
      %swap3A_222 = arith.constant 1 : i32
      %swap3A_223 = arith.index_cast %swap3A_222 : i32 to index
      %swap3A_224 = arith.constant 48 : index
      %swap3A_225 = tpu.vector_load %arg10[%swap3A_223, %swap3A_224] {strides = array<i32>} : memref<3x128xi32, #tpu.memory_space<vmem>>, vector<1x16xi32>,
      %swap3A_226 = vector.shape_cast %swap3A_225 : vector<1x16xi32> to vector<16xi32>
      %swap3A_227 = vector.shape_cast %add3A_221 : vector<16xi32> to vector<1x16xi32>
      tpu.vector_store %arg10[%swap3A_223, %swap3A_224], %swap3A_227 {strides = array<i32>} : memref<3x128xi32, #tpu.memory_space<vmem>>, vector<1x16xi32>,
      %get3A_228 = arith.constant 192 : index
      %get3A_229 = tpu.vector_load %arg8[%get3A_228] {strides = array<i32>} : memref<384xi32, #tpu.memory_space<vmem>>, vector<16xi32>,
      %get3A_230 = vector.shape_cast %get3A_229 : vector<16xi32> to vector<16xi32>
      %mul3A_231 = arith.constant 128 : i32
      %mul3A_232 = vector.broadcast %mul3A_231 : i32 to vector<16xi32>
      %mul3A_233 = arith.muli %get3A_230, %mul3A_232 : vector<16xi32>
      %get3A_234 = arith.constant 192 : index
      %get3A_235 = tpu.vector_load %arg9[%get3A_234] {strides = array<i32>} : memref<384xi32, #tpu.memory_space<vmem>>, vector<16xi32>,
      %get3A_236 = vector.shape_cast %get3A_235 : vector<16xi32> to vector<16xi32>
      %add3A_237 = arith.addi %mul3A_233, %get3A_236 : vector<16xi32>
      %swap3A_238 = arith.constant 1 : i32
      %swap3A_239 = arith.index_cast %swap3A_238 : i32 to index
      %swap3A_240 = arith.constant 64 : index
      %swap3A_241 = tpu.vector_load %arg10[%swap3A_239, %swap3A_240] {strides = array<i32>} : memref<3x128xi32, #tpu.memory_space<vmem>>, vector<1x16xi32>,
      %swap3A_242 = vector.shape_cast %swap3A_241 : vector<1x16xi32> to vector<16xi32>
      %swap3A_243 = vector.shape_cast %add3A_237 : vector<16xi32> to vector<1x16xi32>
      tpu.vector_store %arg10[%swap3A_239, %swap3A_240], %swap3A_243 {strides = array<i32>} : memref<3x128xi32, #tpu.memory_space<vmem>>, vector<1x16xi32>,
      %get3A_244 = arith.constant 208 : index
      %get3A_245 = tpu.vector_load %arg8[%get3A_244] {strides = array<i32>} : memref<384xi32, #tpu.memory_space<vmem>>, vector<16xi32>,
      %get3A_246 = vector.shape_cast %get3A_245 : vector<16xi32> to vector<16xi32>
      %mul3A_247 = arith.constant 128 : i32
      %mul3A_248 = vector.broadcast %mul3A_247 : i32 to vector<16xi32>
      %mul3A_249 = arith.muli %get3A_246, %mul3A_248 : vector<16xi32>
      %get3A_250 = arith.constant 208 : index
      %get3A_251 = tpu.vector_load %arg9[%get3A_250] {strides = array<i32>} : memref<384xi32, #tpu.memory_space<vmem>>, vector<16xi32>,
      %get3A_252 = vector.shape_cast %get3A_251 : vector<16xi32> to vector<16xi32>
      %add3A_253 = arith.addi %mul3A_249, %get3A_252 : vector<16xi32>
      %swap3A_254 = arith.constant 1 : i32
      %swap3A_255 = arith.index_cast %swap3A_254 : i32 to index
      %swap3A_256 = arith.constant 80 : index
      %swap3A_257 = tpu.vector_load %arg10[%swap3A_255, %swap3A_256] {strides = array<i32>} : memref<3x128xi32, #tpu.memory_space<vmem>>, vector<1x16xi32>,
      %swap3A_258 = vector.shape_cast %swap3A_257 : vector<1x16xi32> to vector<16xi32>
      %swap3A_259 = vector.shape_cast %add3A_253 : vector<16xi32> to vector<1x16xi32>
      tpu.vector_store %arg10[%swap3A_255, %swap3A_256], %swap3A_259 {strides = array<i32>} : memref<3x128xi32, #tpu.memory_space<vmem>>, vector<1x16xi32>,
      %get3A_260 = arith.constant 224 : index
      %get3A_261 = tpu.vector_load %arg8[%get3A_260] {strides = array<i32>} : memref<384xi32, #tpu.memory_space<vmem>>, vector<16xi32>,
      %get3A_262 = vector.shape_cast %get3A_261 : vector<16xi32> to vector<16xi32>
      %mul3A_263 = arith.constant 128 : i32
      %mul3A_264 = vector.broadcast %mul3A_263 : i32 to vector<16xi32>
      %mul3A_265 = arith.muli %get3A_262, %mul3A_264 : vector<16xi32>
      %get3A_266 = arith.constant 224 : index
      %get3A_267 = tpu.vector_load %arg9[%get3A_266] {strides = array<i32>} : memref<384xi32, #tpu.memory_space<vmem>>, vector<16xi32>,
      %get3A_268 = vector.shape_cast %get3A_267 : vector<16xi32> to vector<16xi32>
      %add3A_269 = arith.addi %mul3A_265, %get3A_268 : vector<16xi32>
      %swap3A_270 = arith.constant 1 : i32
      %swap3A_271 = arith.index_cast %swap3A_270 : i32 to index
      %swap3A_272 = arith.constant 96 : index
      %swap3A_273 = tpu.vector_load %arg10[%swap3A_271, %swap3A_272] {strides = array<i32>} : memref<3x128xi32, #tpu.memory_space<vmem>>, vector<1x16xi32>,
      %swap3A_274 = vector.shape_cast %swap3A_273 : vector<1x16xi32> to vector<16xi32>
      %swap3A_275 = vector.shape_cast %add3A_269 : vector<16xi32> to vector<1x16xi32>
      tpu.vector_store %arg10[%swap3A_271, %swap3A_272], %swap3A_275 {strides = array<i32>} : memref<3x128xi32, #tpu.memory_space<vmem>>, vector<1x16xi32>,
      %get3A_276 = arith.constant 240 : index
      %get3A_277 = tpu.vector_load %arg8[%get3A_276] {strides = array<i32>} : memref<384xi32, #tpu.memory_space<vmem>>, vector<16xi32>,
      %get3A_278 = vector.shape_cast %get3A_277 : vector<16xi32> to vector<16xi32>
      %mul3A_279 = arith.constant 128 : i32
      %mul3A_280 = vector.broadcast %mul3A_279 : i32 to vector<16xi32>
      %mul3A_281 = arith.muli %get3A_278, %mul3A_280 : vector<16xi32>
      %get3A_282 = arith.constant 240 : index
      %get3A_283 = tpu.vector_load %arg9[%get3A_282] {strides = array<i32>} : memref<384xi32, #tpu.memory_space<vmem>>, vector<16xi32>,
      %get3A_284 = vector.shape_cast %get3A_283 : vector<16xi32> to vector<16xi32>
      %add3A_285 = arith.addi %mul3A_281, %get3A_284 : vector<16xi32>
      %swap3A_286 = arith.constant 1 : i32
      %swap3A_287 = arith.index_cast %swap3A_286 : i32 to index
      %swap3A_288 = arith.constant 112 : index
      %swap3A_289 = tpu.vector_load %arg10[%swap3A_287, %swap3A_288] {strides = array<i32>} : memref<3x128xi32, #tpu.memory_space<vmem>>, vector<1x16xi32>,
      %swap3A_290 = vector.shape_cast %swap3A_289 : vector<1x16xi32> to vector<16xi32>
      %swap3A_291 = vector.shape_cast %add3A_285 : vector<16xi32> to vector<1x16xi32>
      tpu.vector_store %arg10[%swap3A_287, %swap3A_288], %swap3A_291 {strides = array<i32>} : memref<3x128xi32, #tpu.memory_space<vmem>>, vector<1x16xi32>,
      %get3A_292 = arith.constant 256 : index
      %get3A_293 = tpu.vector_load %arg8[%get3A_292] {strides = array<i32>} : memref<384xi32, #tpu.memory_space<vmem>>, vector<16xi32>,
      %get3A_294 = vector.shape_cast %get3A_293 : vector<16xi32> to vector<16xi32>
      %mul3A_295 = arith.constant 128 : i32
      %mul3A_296 = vector.broadcast %mul3A_295 : i32 to vector<16xi32>
      %mul3A_297 = arith.muli %get3A_294, %mul3A_296 : vector<16xi32>
      %get3A_298 = arith.constant 256 : index
      %get3A_299 = tpu.vector_load %arg9[%get3A_298] {strides = array<i32>} : memref<384xi32, #tpu.memory_space<vmem>>, vector<16xi32>,
      %get3A_300 = vector.shape_cast %get3A_299 : vector<16xi32> to vector<16xi32>
      %add3A_301 = arith.addi %mul3A_297, %get3A_300 : vector<16xi32>
      %swap3A_302 = arith.constant 2 : i32
      %swap3A_303 = arith.index_cast %swap3A_302 : i32 to index
      %swap3A_304 = arith.constant 0 : index
      %swap3A_305 = tpu.vector_load %arg10[%swap3A_303, %swap3A_304] {strides = array<i32>} : memref<3x128xi32, #tpu.memory_space<vmem>>, vector<1x16xi32>,
      %swap3A_306 = vector.shape_cast %swap3A_305 : vector<1x16xi32> to vector<16xi32>
      %swap3A_307 = vector.shape_cast %add3A_301 : vector<16xi32> to vector<1x16xi32>
      tpu.vector_store %arg10[%swap3A_303, %swap3A_304], %swap3A_307 {strides = array<i32>} : memref<3x128xi32, #tpu.memory_space<vmem>>, vector<1x16xi32>,
      %get3A_308 = arith.constant 272 : index
      %get3A_309 = tpu.vector_load %arg8[%get3A_308] {strides = array<i32>} : memref<384xi32, #tpu.memory_space<vmem>>, vector<16xi32>,
      %get3A_310 = vector.shape_cast %get3A_309 : vector<16xi32> to vector<16xi32>
      %mul3A_311 = arith.constant 128 : i32
      %mul3A_312 = vector.broadcast %mul3A_311 : i32 to vector<16xi32>
      %mul3A_313 = arith.muli %get3A_310, %mul3A_312 : vector<16xi32>
      %get3A_314 = arith.constant 272 : index
      %get3A_315 = tpu.vector_load %arg9[%get3A_314] {strides = array<i32>} : memref<384xi32, #tpu.memory_space<vmem>>, vector<16xi32>,
      %get3A_316 = vector.shape_cast %get3A_315 : vector<16xi32> to vector<16xi32>
      %add3A_317 = arith.addi %mul3A_313, %get3A_316 : vector<16xi32>
      %swap3A_318 = arith.constant 2 : i32
      %swap3A_319 = arith.index_cast %swap3A_318 : i32 to index
      %swap3A_320 = arith.constant 16 : index
      %swap3A_321 = tpu.vector_load %arg10[%swap3A_319, %swap3A_320] {strides = array<i32>} : memref<3x128xi32, #tpu.memory_space<vmem>>, vector<1x16xi32>,
      %swap3A_322 = vector.shape_cast %swap3A_321 : vector<1x16xi32> to vector<16xi32>
      %swap3A_323 = vector.shape_cast %add3A_317 : vector<16xi32> to vector<1x16xi32>
      tpu.vector_store %arg10[%swap3A_319, %swap3A_320], %swap3A_323 {strides = array<i32>} : memref<3x128xi32, #tpu.memory_space<vmem>>, vector<1x16xi32>,
      %get3A_324 = arith.constant 288 : index
      %get3A_325 = tpu.vector_load %arg8[%get3A_324] {strides = array<i32>} : memref<384xi32, #tpu.memory_space<vmem>>, vector<16xi32>,
      %get3A_326 = vector.shape_cast %get3A_325 : vector<16xi32> to vector<16xi32>
      %mul3A_327 = arith.constant 128 : i32
      %mul3A_328 = vector.broadcast %mul3A_327 : i32 to vector<16xi32>
      %mul3A_329 = arith.muli %get3A_326, %mul3A_328 : vector<16xi32>
      %get3A_330 = arith.constant 288 : index
      %get3A_331 = tpu.vector_load %arg9[%get3A_330] {strides = array<i32>} : memref<384xi32, #tpu.memory_space<vmem>>, vector<16xi32>,
      %get3A_332 = vector.shape_cast %get3A_331 : vector<16xi32> to vector<16xi32>
      %add3A_333 = arith.addi %mul3A_329, %get3A_332 : vector<16xi32>
      %swap3A_334 = arith.constant 2 : i32
      %swap3A_335 = arith.index_cast %swap3A_334 : i32 to index
      %swap3A_336 = arith.constant 32 : index
      %swap3A_337 = tpu.vector_load %arg10[%swap3A_335, %swap3A_336] {strides = array<i32>} : memref<3x128xi32, #tpu.memory_space<vmem>>, vector<1x16xi32>,
      %swap3A_338 = vector.shape_cast %swap3A_337 : vector<1x16xi32> to vector<16xi32>
      %swap3A_339 = vector.shape_cast %add3A_333 : vector<16xi32> to vector<1x16xi32>
      tpu.vector_store %arg10[%swap3A_335, %swap3A_336], %swap3A_339 {strides = array<i32>} : memref<3x128xi32, #tpu.memory_space<vmem>>, vector<1x16xi32>,
      %get3A_340 = arith.constant 304 : index
      %get3A_341 = tpu.vector_load %arg8[%get3A_340] {strides = array<i32>} : memref<384xi32, #tpu.memory_space<vmem>>, vector<16xi32>,
      %get3A_342 = vector.shape_cast %get3A_341 : vector<16xi32> to vector<16xi32>
      %mul3A_343 = arith.constant 128 : i32
      %mul3A_344 = vector.broadcast %mul3A_343 : i32 to vector<16xi32>
      %mul3A_345 = arith.muli %get3A_342, %mul3A_344 : vector<16xi32>
      %get3A_346 = arith.constant 304 : index
      %get3A_347 = tpu.vector_load %arg9[%get3A_346] {strides = array<i32>} : memref<384xi32, #tpu.memory_space<vmem>>, vector<16xi32>,
      %get3A_348 = vector.shape_cast %get3A_347 : vector<16xi32> to vector<16xi32>
      %add3A_349 = arith.addi %mul3A_345, %get3A_348 : vector<16xi32>
      %swap3A_350 = arith.constant 2 : i32
      %swap3A_351 = arith.index_cast %swap3A_350 : i32 to index
      %swap3A_352 = arith.constant 48 : index
      %swap3A_353 = tpu.vector_load %arg10[%swap3A_351, %swap3A_352] {strides = array<i32>} : memref<3x128xi32, #tpu.memory_space<vmem>>, vector<1x16xi32>,
      %swap3A_354 = vector.shape_cast %swap3A_353 : vector<1x16xi32> to vector<16xi32>
      %swap3A_355 = vector.shape_cast %add3A_349 : vector<16xi32> to vector<1x16xi32>
      tpu.vector_store %arg10[%swap3A_351, %swap3A_352], %swap3A_355 {strides = array<i32>} : memref<3x128xi32, #tpu.memory_space<vmem>>, vector<1x16xi32>,
      %get3A_356 = arith.constant 320 : index
      %get3A_357 = tpu.vector_load %arg8[%get3A_356] {strides = array<i32>} : memref<384xi32, #tpu.memory_space<vmem>>, vector<16xi32>,
      %get3A_358 = vector.shape_cast %get3A_357 : vector<16xi32> to vector<16xi32>
      %mul3A_359 = arith.constant 128 : i32
      %mul3A_360 = vector.broadcast %mul3A_359 : i32 to vector<16xi32>
      %mul3A_361 = arith.muli %get3A_358, %mul3A_360 : vector<16xi32>
      %get3A_362 = arith.constant 320 : index
      %get3A_363 = tpu.vector_load %arg9[%get3A_362] {strides = array<i32>} : memref<384xi32, #tpu.memory_space<vmem>>, vector<16xi32>,
      %get3A_364 = vector.shape_cast %get3A_363 : vector<16xi32> to vector<16xi32>
      %add3A_365 = arith.addi %mul3A_361, %get3A_364 : vector<16xi32>
      %swap3A_366 = arith.constant 2 : i32
      %swap3A_367 = arith.index_cast %swap3A_366 : i32 to index
      %swap3A_368 = arith.constant 64 : index
      %swap3A_369 = tpu.vector_load %arg10[%swap3A_367, %swap3A_368] {strides = array<i32>} : memref<3x128xi32, #tpu.memory_space<vmem>>, vector<1x16xi32>,
      %swap3A_370 = vector.shape_cast %swap3A_369 : vector<1x16xi32> to vector<16xi32>
      %swap3A_371 = vector.shape_cast %add3A_365 : vector<16xi32> to vector<1x16xi32>
      tpu.vector_store %arg10[%swap3A_367, %swap3A_368], %swap3A_371 {strides = array<i32>} : memref<3x128xi32, #tpu.memory_space<vmem>>, vector<1x16xi32>,
      %get3A_372 = arith.constant 336 : index
      %get3A_373 = tpu.vector_load %arg8[%get3A_372] {strides = array<i32>} : memref<384xi32, #tpu.memory_space<vmem>>, vector<16xi32>,
      %get3A_374 = vector.shape_cast %get3A_373 : vector<16xi32> to vector<16xi32>
      %mul3A_375 = arith.constant 128 : i32
      %mul3A_376 = vector.broadcast %mul3A_375 : i32 to vector<16xi32>
      %mul3A_377 = arith.muli %get3A_374, %mul3A_376 : vector<16xi32>
      %get3A_378 = arith.constant 336 : index
      %get3A_379 = tpu.vector_load %arg9[%get3A_378] {strides = array<i32>} : memref<384xi32, #tpu.memory_space<vmem>>, vector<16xi32>,
      %get3A_380 = vector.shape_cast %get3A_379 : vector<16xi32> to vector<16xi32>
      %add3A_381 = arith.addi %mul3A_377, %get3A_380 : vector<16xi32>
      %swap3A_382 = arith.constant 2 : i32
      %swap3A_383 = arith.index_cast %swap3A_382 : i32 to index
      %swap3A_384 = arith.constant 80 : index
      %swap3A_385 = tpu.vector_load %arg10[%swap3A_383, %swap3A_384] {strides = array<i32>} : memref<3x128xi32, #tpu.memory_space<vmem>>, vector<1x16xi32>,
      %swap3A_386 = vector.shape_cast %swap3A_385 : vector<1x16xi32> to vector<16xi32>
      %swap3A_387 = vector.shape_cast %add3A_381 : vector<16xi32> to vector<1x16xi32>
      tpu.vector_store %arg10[%swap3A_383, %swap3A_384], %swap3A_387 {strides = array<i32>} : memref<3x128xi32, #tpu.memory_space<vmem>>, vector<1x16xi32>,
      %get3A_388 = arith.constant 352 : index
      %get3A_389 = tpu.vector_load %arg8[%get3A_388] {strides = array<i32>} : memref<384xi32, #tpu.memory_space<vmem>>, vector<16xi32>,
      %get3A_390 = vector.shape_cast %get3A_389 : vector<16xi32> to vector<16xi32>
      %mul3A_391 = arith.constant 128 : i32
      %mul3A_392 = vector.broadcast %mul3A_391 : i32 to vector<16xi32>
      %mul3A_393 = arith.muli %get3A_390, %mul3A_392 : vector<16xi32>
      %get3A_394 = arith.constant 352 : index
      %get3A_395 = tpu.vector_load %arg9[%get3A_394] {strides = array<i32>} : memref<384xi32, #tpu.memory_space<vmem>>, vector<16xi32>,
      %get3A_396 = vector.shape_cast %get3A_395 : vector<16xi32> to vector<16xi32>
      %add3A_397 = arith.addi %mul3A_393, %get3A_396 : vector<16xi32>
      %swap3A_398 = arith.constant 2 : i32
      %swap3A_399 = arith.index_cast %swap3A_398 : i32 to index
      %swap3A_400 = arith.constant 96 : index
      %swap3A_401 = tpu.vector_load %arg10[%swap3A_399, %swap3A_400] {strides = array<i32>} : memref<3x128xi32, #tpu.memory_space<vmem>>, vector<1x16xi32>,
      %swap3A_402 = vector.shape_cast %swap3A_401 : vector<1x16xi32> to vector<16xi32>
      %swap3A_403 = vector.shape_cast %add3A_397 : vector<16xi32> to vector<1x16xi32>
      tpu.vector_store %arg10[%swap3A_399, %swap3A_400], %swap3A_403 {strides = array<i32>} : memref<3x128xi32, #tpu.memory_space<vmem>>, vector<1x16xi32>,
      %get3A_404 = arith.constant 368 : index
      %get3A_405 = tpu.vector_load %arg8[%get3A_404] {strides = array<i32>} : memref<384xi32, #tpu.memory_space<vmem>>, vector<16xi32>,
      %get3A_406 = vector.shape_cast %get3A_405 : vector<16xi32> to vector<16xi32>
      %mul3A_407 = arith.constant 128 : i32
      %mul3A_408 = vector.broadcast %mul3A_407 : i32 to vector<16xi32>
      %mul3A_409 = arith.muli %get3A_406, %mul3A_408 : vector<16xi32>
      %get3A_410 = arith.constant 368 : index
      %get3A_411 = tpu.vector_load %arg9[%get3A_410] {strides = array<i32>} : memref<384xi32, #tpu.memory_space<vmem>>, vector<16xi32>,
      %get3A_412 = vector.shape_cast %get3A_411 : vector<16xi32> to vector<16xi32>
      %add3A_413 = arith.addi %mul3A_409, %get3A_412 : vector<16xi32>
      %swap3A_414 = arith.constant 2 : i32
      %swap3A_415 = arith.index_cast %swap3A_414 : i32 to index
      %swap3A_416 = arith.constant 112 : index
      %swap3A_417 = tpu.vector_load %arg10[%swap3A_415, %swap3A_416] {strides = array<i32>} : memref<3x128xi32, #tpu.memory_space<vmem>>, vector<1x16xi32>,
      %swap3A_418 = vector.shape_cast %swap3A_417 : vector<1x16xi32> to vector<16xi32>
      %swap3A_419 = vector.shape_cast %add3A_413 : vector<16xi32> to vector<1x16xi32>
      tpu.vector_store %arg10[%swap3A_415, %swap3A_416], %swap3A_419 {strides = array<i32>} : memref<3x128xi32, #tpu.memory_space<vmem>>, vector<1x16xi32>,
      %run_scoped3A = arith.constant 0 : i32
      "tpu.region"() ({
        %run_scoped3A_423 = tpu.sem_alloc : memref<!tpu.dma_semaphore, #tpu.memory_space<semaphore_mem>>
        %dma_start3A = arith.constant 0 : i32
        %dma_start3A_424 = arith.constant 0 : i32
        %dma_start3A_425 = tpu.memref_slice %arg7[%dma_start3A, %dma_start3A_424] : memref<384x80xf32, #tpu.memory_space<vmem>> -> memref<128x80xf32, #tpu.memory_space<vmem>>
        %dma_start3A_426 = arith.constant 0 : i32
        %dma_start3A_427 = tpu.memref_slice %arg10[%run_scoped3A, %dma_start3A_426] : memref<3x128xi32, #tpu.memory_space<vmem>> -> memref<1x128xi32, #tpu.memory_space<vmem>>
        %dma_start3A_428 = tpu.memref_squeeze %dma_start3A_427 : memref<1x128xi32, #tpu.memory_space<vmem>> -> memref<128xi32, #tpu.memory_space<vmem>>
        %dma_start3A_429 = arith.constant 0 : i32
        %dma_start3A_430 = arith.constant 0 : i32
        %dma_start3A_431 = tpu.memref_slice %arg6[%dma_start3A_429, %dma_start3A_430] : memref<16384x80xf32, #tpu.memory_space<vmem_shared>> -> memref<16384x80xf32, #tpu.memory_space<vmem_shared>>
        tpu.enqueue_indirect_dma source(%dma_start3A_425 : memref<128x80xf32, #tpu.memory_space<vmem>>) target(%dma_start3A_431 : memref<16384x80xf32, #tpu.memory_space<vmem_shared>>) offsets(%dma_start3A_428 : memref<128xi32, #tpu.memory_space<vmem>>) semaphore(%run_scoped3A_423 : memref<!tpu.dma_semaphore, #tpu.memory_space<semaphore_mem>>) {add = true}
        %dma_wait3A = arith.constant 0 : i32
        %dma_wait3A_432 = arith.constant 0 : i32
        %dma_wait3A_433 = tpu.memref_slice %arg7[%dma_wait3A, %dma_wait3A_432] : memref<384x80xf32, #tpu.memory_space<vmem>> -> memref<128x80xf32, #tpu.memory_space<vmem>>
        %dma_wait3A_434 = arith.constant 0 : i32
        %dma_wait3A_435 = tpu.memref_slice %arg10[%run_scoped3A, %dma_wait3A_434] : memref<3x128xi32, #tpu.memory_space<vmem>> -> memref<1x128xi32, #tpu.memory_space<vmem>>
        %dma_wait3A_436 = tpu.memref_squeeze %dma_wait3A_435 : memref<1x128xi32, #tpu.memory_space<vmem>> -> memref<128xi32, #tpu.memory_space<vmem>>
        %dma_wait3A_437 = arith.constant 0 : i32
        %dma_wait3A_438 = arith.constant 0 : i32
        %dma_wait3A_439 = tpu.memref_slice %arg6[%dma_wait3A_437, %dma_wait3A_438] : memref<16384x80xf32, #tpu.memory_space<vmem_shared>> -> memref<16384x80xf32, #tpu.memory_space<vmem_shared>>
        tpu.wait_indirect_dma semaphore(%run_scoped3A_423 : memref<!tpu.dma_semaphore, #tpu.memory_space<semaphore_mem>>) src(%dma_wait3A_433 : memref<128x80xf32, #tpu.memory_space<vmem>>) dst(%dma_wait3A_439 : memref<16384x80xf32, #tpu.memory_space<vmem_shared>>)
        tpu.yield
      }) : () -> ()
      %run_scoped3A_420 = arith.constant 1 : i32
      "tpu.region"() ({
        %run_scoped3A_423 = tpu.sem_alloc : memref<!tpu.dma_semaphore, #tpu.memory_space<semaphore_mem>>
        %dma_start3A = arith.constant 128 : i32
        %dma_start3A_424 = arith.constant 0 : i32
        %dma_start3A_425 = tpu.memref_slice %arg7[%dma_start3A, %dma_start3A_424] : memref<384x80xf32, #tpu.memory_space<vmem>> -> memref<128x80xf32, #tpu.memory_space<vmem>>
        %dma_start3A_426 = arith.constant 0 : i32
        %dma_start3A_427 = tpu.memref_slice %arg10[%run_scoped3A_420, %dma_start3A_426] : memref<3x128xi32, #tpu.memory_space<vmem>> -> memref<1x128xi32, #tpu.memory_space<vmem>>
        %dma_start3A_428 = tpu.memref_squeeze %dma_start3A_427 : memref<1x128xi32, #tpu.memory_space<vmem>> -> memref<128xi32, #tpu.memory_space<vmem>>
        %dma_start3A_429 = arith.constant 0 : i32
        %dma_start3A_430 = arith.constant 0 : i32
        %dma_start3A_431 = tpu.memref_slice %arg6[%dma_start3A_429, %dma_start3A_430] : memref<16384x80xf32, #tpu.memory_space<vmem_shared>> -> memref<16384x80xf32, #tpu.memory_space<vmem_shared>>
        tpu.enqueue_indirect_dma source(%dma_start3A_425 : memref<128x80xf32, #tpu.memory_space<vmem>>) target(%dma_start3A_431 : memref<16384x80xf32, #tpu.memory_space<vmem_shared>>) offsets(%dma_start3A_428 : memref<128xi32, #tpu.memory_space<vmem>>) semaphore(%run_scoped3A_423 : memref<!tpu.dma_semaphore, #tpu.memory_space<semaphore_mem>>) {add = true}
        %dma_wait3A = arith.constant 128 : i32
        %dma_wait3A_432 = arith.constant 0 : i32
        %dma_wait3A_433 = tpu.memref_slice %arg7[%dma_wait3A, %dma_wait3A_432] : memref<384x80xf32, #tpu.memory_space<vmem>> -> memref<128x80xf32, #tpu.memory_space<vmem>>
        %dma_wait3A_434 = arith.constant 0 : i32
        %dma_wait3A_435 = tpu.memref_slice %arg10[%run_scoped3A_420, %dma_wait3A_434] : memref<3x128xi32, #tpu.memory_space<vmem>> -> memref<1x128xi32, #tpu.memory_space<vmem>>
        %dma_wait3A_436 = tpu.memref_squeeze %dma_wait3A_435 : memref<1x128xi32, #tpu.memory_space<vmem>> -> memref<128xi32, #tpu.memory_space<vmem>>
        %dma_wait3A_437 = arith.constant 0 : i32
        %dma_wait3A_438 = arith.constant 0 : i32
        %dma_wait3A_439 = tpu.memref_slice %arg6[%dma_wait3A_437, %dma_wait3A_438] : memref<16384x80xf32, #tpu.memory_space<vmem_shared>> -> memref<16384x80xf32, #tpu.memory_space<vmem_shared>>
        tpu.wait_indirect_dma semaphore(%run_scoped3A_423 : memref<!tpu.dma_semaphore, #tpu.memory_space<semaphore_mem>>) src(%dma_wait3A_433 : memref<128x80xf32, #tpu.memory_space<vmem>>) dst(%dma_wait3A_439 : memref<16384x80xf32, #tpu.memory_space<vmem_shared>>)
        tpu.yield
      }) : () -> ()
      %run_scoped3A_421 = arith.constant 2 : i32
      "tpu.region"() ({
        %run_scoped3A_423 = tpu.sem_alloc : memref<!tpu.dma_semaphore, #tpu.memory_space<semaphore_mem>>
        %dma_start3A = arith.constant 256 : i32
        %dma_start3A_424 = arith.constant 0 : i32
        %dma_start3A_425 = tpu.memref_slice %arg7[%dma_start3A, %dma_start3A_424] : memref<384x80xf32, #tpu.memory_space<vmem>> -> memref<128x80xf32, #tpu.memory_space<vmem>>
        %dma_start3A_426 = arith.constant 0 : i32
        %dma_start3A_427 = tpu.memref_slice %arg10[%run_scoped3A_421, %dma_start3A_426] : memref<3x128xi32, #tpu.memory_space<vmem>> -> memref<1x128xi32, #tpu.memory_space<vmem>>
        %dma_start3A_428 = tpu.memref_squeeze %dma_start3A_427 : memref<1x128xi32, #tpu.memory_space<vmem>> -> memref<128xi32, #tpu.memory_space<vmem>>
        %dma_start3A_429 = arith.constant 0 : i32
        %dma_start3A_430 = arith.constant 0 : i32
        %dma_start3A_431 = tpu.memref_slice %arg6[%dma_start3A_429, %dma_start3A_430] : memref<16384x80xf32, #tpu.memory_space<vmem_shared>> -> memref<16384x80xf32, #tpu.memory_space<vmem_shared>>
        tpu.enqueue_indirect_dma source(%dma_start3A_425 : memref<128x80xf32, #tpu.memory_space<vmem>>) target(%dma_start3A_431 : memref<16384x80xf32, #tpu.memory_space<vmem_shared>>) offsets(%dma_start3A_428 : memref<128xi32, #tpu.memory_space<vmem>>) semaphore(%run_scoped3A_423 : memref<!tpu.dma_semaphore, #tpu.memory_space<semaphore_mem>>) {add = true}
        %dma_wait3A = arith.constant 256 : i32
        %dma_wait3A_432 = arith.constant 0 : i32
        %dma_wait3A_433 = tpu.memref_slice %arg7[%dma_wait3A, %dma_wait3A_432] : memref<384x80xf32, #tpu.memory_space<vmem>> -> memref<128x80xf32, #tpu.memory_space<vmem>>
        %dma_wait3A_434 = arith.constant 0 : i32
        %dma_wait3A_435 = tpu.memref_slice %arg10[%run_scoped3A_421, %dma_wait3A_434] : memref<3x128xi32, #tpu.memory_space<vmem>> -> memref<1x128xi32, #tpu.memory_space<vmem>>
        %dma_wait3A_436 = tpu.memref_squeeze %dma_wait3A_435 : memref<1x128xi32, #tpu.memory_space<vmem>> -> memref<128xi32, #tpu.memory_space<vmem>>
        %dma_wait3A_437 = arith.constant 0 : i32
        %dma_wait3A_438 = arith.constant 0 : i32
        %dma_wait3A_439 = tpu.memref_slice %arg6[%dma_wait3A_437, %dma_wait3A_438] : memref<16384x80xf32, #tpu.memory_space<vmem_shared>> -> memref<16384x80xf32, #tpu.memory_space<vmem_shared>>
        tpu.wait_indirect_dma semaphore(%run_scoped3A_423 : memref<!tpu.dma_semaphore, #tpu.memory_space<semaphore_mem>>) src(%dma_wait3A_433 : memref<128x80xf32, #tpu.memory_space<vmem>>) dst(%dma_wait3A_439 : memref<16384x80xf32, #tpu.memory_space<vmem_shared>>)
        tpu.yield
      }) : () -> ()
      %while3A_422 = arith.constant 0 : i32
      scf.yield %while3A_422 : i32
    }
    %barrier3A_30 = arith.constant 0 : index
    tpu.barrier barrier_id(%barrier3A_30)
    "tpu.region"() ({
      %run_scoped3A = tpu.sem_alloc : memref<!tpu.dma_semaphore, #tpu.memory_space<semaphore_mem>>
      %dma_start3A = arith.constant 0 : i32
      %dma_start3A_31 = tpu.memref_slice %arg5[%arg0, %mul3A_9, %dma_start3A] : memref<2x16384x80xf32, #tpu.memory_space<hbm>> -> memref<1x1024x80xf32, #tpu.memory_space<hbm>>
      %dma_start3A_32 = tpu.memref_squeeze %dma_start3A_31 : memref<1x1024x80xf32, #tpu.memory_space<hbm>> -> memref<1024x80xf32, #tpu.memory_space<hbm>>
      %dma_start3A_33 = arith.constant 0 : i32
      %dma_start3A_34 = tpu.memref_slice %arg6[%mul3A_9, %dma_start3A_33] : memref<16384x80xf32, #tpu.memory_space<vmem_shared>> -> memref<1024x80xf32, #tpu.memory_space<vmem_shared>>
      tpu.enqueue_dma source(%dma_start3A_34 : memref<1024x80xf32, #tpu.memory_space<vmem_shared>>) target(%dma_start3A_32 : memref<1024x80xf32, #tpu.memory_space<hbm>>) target_semaphore(%run_scoped3A : memref<!tpu.dma_semaphore, #tpu.memory_space<semaphore_mem>>)
      %dma_wait3A = arith.constant 0 : i32
      %dma_wait3A_35 = tpu.memref_slice %arg5[%arg0, %mul3A_9, %dma_wait3A] : memref<2x16384x80xf32, #tpu.memory_space<hbm>> -> memref<1x1024x80xf32, #tpu.memory_space<hbm>>
      %dma_wait3A_36 = tpu.memref_squeeze %dma_wait3A_35 : memref<1x1024x80xf32, #tpu.memory_space<hbm>> -> memref<1024x80xf32, #tpu.memory_space<hbm>>
      %dma_wait3A_37 = arith.constant 0 : i32
      %dma_wait3A_38 = tpu.memref_slice %arg6[%mul3A_9, %dma_wait3A_37] : memref<16384x80xf32, #tpu.memory_space<vmem_shared>> -> memref<1024x80xf32, #tpu.memory_space<vmem_shared>>
      tpu.wait_dma2 semaphore(%run_scoped3A : memref<!tpu.dma_semaphore, #tpu.memory_space<semaphore_mem>>) src(%dma_wait3A_38 : memref<1024x80xf32, #tpu.memory_space<vmem_shared>>) dst(%dma_wait3A_36 : memref<1024x80xf32, #tpu.memory_space<hbm>>)
      tpu.yield
    }) : () -> ()
    return
  }
}

module attributes {stable_mosaic.version = 14 : i64} {
  func.func @_tc_combine_body(%arg0: i32, %arg1: memref<2x1024x80xf32, #tpu.memory_space<vmem>>, %arg2: memref<80x1024xf32, #tpu.memory_space<vmem>>) attributes {dimension_semantics = [#tpu.dimension_semantics<arbitrary>], iteration_bounds = array<i64: 16>, scalar_prefetch = 0 : i64, scratch_operands = 0 : i64, tpu.core_type = #tpu.core_type<tc>, window_params = [{transform_indices = @transform_0, window_bounds = array<i64: 2, 1024, 80>}, {transform_indices = @transform_1, window_bounds = array<i64: 80, 1024>}]} {
    %get3A = arith.constant 0 : index
    %get3A_0 = arith.constant 0 : index
    %get3A_1 = arith.constant 0 : index
    %get3A_2 = vector.load %arg1[%get3A, %get3A_0, %get3A_1] : memref<2x1024x80xf32, #tpu.memory_space<vmem>>, vector<1x1024x80xf32>
    %get3A_3 = vector.shape_cast %get3A_2 : vector<1x1024x80xf32> to vector<1024x80xf32>
    %get3A_4 = arith.constant 1 : index
    %get3A_5 = arith.constant 0 : index
    %get3A_6 = arith.constant 0 : index
    %get3A_7 = vector.load %arg1[%get3A_4, %get3A_5, %get3A_6] : memref<2x1024x80xf32, #tpu.memory_space<vmem>>, vector<1x1024x80xf32>
    %get3A_8 = vector.shape_cast %get3A_7 : vector<1x1024x80xf32> to vector<1024x80xf32>
    %add3A = arith.addf %get3A_3, %get3A_8 : vector<1024x80xf32>
    %transpose3A = tpu.transpose %add3A, [1, 0] : vector<1024x80xf32> -> vector<80x1024xf32>
    %swap3A = arith.constant 0 : index
    %swap3A_9 = arith.constant 0 : index
    %swap3A_10 = vector.load %arg2[%swap3A, %swap3A_9] : memref<80x1024xf32, #tpu.memory_space<vmem>>, vector<80x1024xf32>
    tpu.vector_store %arg2[%swap3A, %swap3A_9], %transpose3A {strides = array<i32>} : memref<80x1024xf32, #tpu.memory_space<vmem>>, vector<80x1024xf32>,
    return
  }
  func.func @transform_0(%arg0: i32) -> (i32, i32, i32) {
    %c0_i32 = arith.constant 0 : i32
    %c0_i32_0 = arith.constant 0 : i32
    %c0_i32_1 = arith.constant 0 : i32
    return %c0_i32, %arg0, %c0_i32_0 : i32, i32, i32
  }
  func.func @transform_1(%arg0: i32) -> (i32, i32) {
    %c0_i32 = arith.constant 0 : i32
    %c0_i32_0 = arith.constant 0 : i32
    return %c0_i32, %arg0 : i32, i32
  }
}

</mosaic_0001>

<sc_bundles>
// kernel: kernel.4.cloned.1.call-start
scs
__scs_entry_jumppad:
0x0: {  	(pc) =	sbr.rel $0x88, $3  }
0x1: {  	(tag) =	ssettag $0x0;
	lr =	simm.s32 $0x1  }
0x2: {  	[smem:$0x3F9F] =	sst lr;
	_ =	strace $0xD0000000  }
0x3: {  	_ = 	snop  }
0x4: {  	_ = 	snop  }
0x5: {  	_ = 	snop  }
0x6: {  	_ = 	snop  }
0x7: {  	_ = 	snop  }
__scs_overlays_trampoline_lowered:
0x8: {  	[smem:$0x3FAE] =	sst s0  }
0x9: {  	[smem:$0x3FAF] =	sst s1  }
0xa: {  	[smem:$0x3FB0] =	sst s2  }
0xb: {  	[smem:$0x3FB1] =	sst s3  }
0xc: {  	[smem:$0x3FB2] =	sst s4  }
0xd: {  	[smem:$0x3FB3] =	sst s5  }
0xe: {  	[smem:$0x3FB4] =	sst s6  }
0xf: {  	[smem:$0x3FB5] =	sst s7  }
0x10: {  	[smem:$0x3FB6] =	sst s8  }
0x11: {  	[smem:$0x3FB7] =	sst s9;
	s0 =	simm.s32 @!p0 $0x0  }
0x12: {  	s1 =	sld [smem:$0x3F9D];
	s0 =	simm.s32 @p0 $0x1  }
0x13: {  	[smem:$0x3FB8] =	sst s0;
	s0 =	simm.s32 @!p1 $0x0  }
0x14: {  	s2 =	sld [smem:$0x3F9C];
	s0 =	simm.s32 @p1 $0x1  }
0x15: {  	[smem:$0x3FB9] =	sst s0;
	s0 =	simm.s32 @!p2 $0x0  }
0x16: {  	s3 =	sld [smem:$0x3FDB];
	s0 =	simm.s32 @p2 $0x1  }
0x17: {  	s4 =	simm.s32 $0x1BF5;
	[smem:$0x3FBB] =	sst s0  }
0x18: {  	s0 =	sld [smem:$0x3F9E];
	_ =	swait.ge [sflag:s4], $0x0  }
0x19: {  	s7 =	sld [smem:$0x3F9F]  }
0x1a: {  	s8 =	sadd.s32 $0xFFFFE003, lr  }
0x1b: {  	s9 =	sadd.s32 $0xFFFFFEF7, lr;
	s5 =	simm.s32 $0xFFFFFFFF;
	p2 =	slt.u32 s8, $0xFFFFF086  }
0x1c: {  	p1 =	slt.u32 s9, $0xF7A;
	s5 =	simm.s32 @!p2 $0x0  }
0x1d: {  	s5 =	simm.s32 @p1 $0x1;
	p0 =	seq.s32 s7, s2  }
0x1e: {  	s7 =	smul.u32 @!p0 $0xF7A, s2;
	p2 =	seq.s32 @!p0 s5, $0x0  }
0x1f: {  	s9 =	smul.u32 $0xF7A, s1;
	s8 =	simm.s32 @!p0 $0x1BF5;
	p2 =	por !p2, p0  }
0x20: {  	[sflag:s8] =	ssyncset.s32 @!p0 $0xFFFFF086;
	s6 =	sadd.s32 @!p0 s3, s7;
	s7 =	simm.s32 @!p0 $0x108  }
0x21: {  	s3 =	sadd.s32 s3, s9;
	s6 =	sadd.s32 @!p0 $0x88, s6;
	s7 =	simm.s32 @p2 $0x1082  }
0x22: {  	[simem:s7], [sflag:s8] =	dma.local @!p0 [hbm:s6], $0xF7A  }
0x23: {  	s9 =	sor.u32 $0xD0000000, s2;
	s6 =	simm.s32 $0x108;
	_ =	swait.ge @!p0 [sflag:s8], $0x0  }
0x24: {  	s3 =	sadd.s32 $0x88, s3;
	s6 =	simm.s32 @!p1 $0x1082;
	[sflag:s4] =	ssyncset.s32 $0xFFFFF086  }
0x25: {  	[simem:s6], [sflag:s4] =	dma.local [hbm:s3], $0xF7A  }
0x26: {  	[smem:$0x3F9F] =	sst s1;
	(tag) =	ssettag s2;
	_ =	strace s9  }
0x27: {  	s1 =	sld [smem:$0x3FAF]  }
0x28: {  	s2 =	sld [smem:$0x3FB0]  }
0x29: {  	s4 =	sld [smem:$0x3FB2]  }
0x2a: {  	p0 =	seq.s32 s5, $0x0;
	s5 =	sld [smem:$0x3FB3]  }
0x2b: {  	s6 =	sld [smem:$0x3FB4]  }
0x2c: {  	s7 =	sld [smem:$0x3FB5]  }
0x2d: {  	s3 =	simm.s32 $0x108;
	s8 =	sld [smem:$0x3FB6]  }
0x2e: {  	s3 =	simm.s32 @!p0 $0x1082;
	s9 =	sld [smem:$0x3FB7]  }
0x2f: {  	lr =	sadd.s32 s0, s3;
	s0 =	sld [smem:$0x3FAE]  }
0x30: {  	s3 =	sld [smem:$0x3FB1]  }
0x31: {  	[smem:$0x3FBA] =	sst s10  }
0x32: {  	s10 =	sld [smem:$0x3FB8];
	_ =	sdelay $0x3  }
0x33: {  	p0 =	seq.s32 s10, $0x1;
	s10 =	sld [smem:$0x3FBA];
	_ =	sdelay $0x3  }
0x34: {  	[smem:$0x3FBA] =	sst s10  }
0x35: {  	s10 =	sld [smem:$0x3FB9];
	_ =	sdelay $0x3  }
0x36: {  	p1 =	seq.s32 s10, $0x1;
	s10 =	sld [smem:$0x3FBA];
	_ =	sdelay $0x3  }
0x37: {  	[smem:$0x3FBA] =	sst s10  }
0x38: {  	s10 =	sld [smem:$0x3FBB]  }
0x39: {  	_ = 	snop;
	(pc) =	sbr.ind lr, $3  }
0x3a: {  	_ = 	snop  }
0x3b: {  	_ = 	snop  }
0x3c: {  	p2 =	seq.s32 s10, $0x1;
	s10 =	sld [smem:$0x3FBA]  }
0x3d: {  	_ =	shalt  }
0x3e: {  	_ =	shalt  }
0x3f: {  	_ =	shalt  }
0x40: {  	_ =	shalt  }
0x41: {  	_ =	shalt  }
0x42: {  	_ =	shalt  }
0x43: {  	_ =	shalt  }
0x44: {  	_ =	shalt  }
0x45: {  	_ =	shalt  }
0x46: {  	_ =	shalt  }
0x47: {  	_ =	shalt  }
0x48: {  	_ =	shalt  }
0x49: {  	_ =	shalt  }
0x4a: {  	_ =	shalt  }
0x4b: {  	_ =	shalt  }
0x4c: {  	_ =	shalt  }
0x4d: {  	_ =	shalt  }
0x4e: {  	_ =	shalt  }
0x4f: {  	_ =	shalt  }
0x50: {  	_ =	shalt  }
0x51: {  	_ =	shalt  }
0x52: {  	_ =	shalt  }
0x53: {  	_ =	shalt  }
0x54: {  	_ =	shalt  }
0x55: {  	_ =	shalt  }
0x56: {  	_ =	shalt  }
0x57: {  	_ =	shalt  }
0x58: {  	_ =	shalt  }
0x59: {  	_ =	shalt  }
0x5a: {  	_ =	shalt  }
0x5b: {  	_ =	shalt  }
0x5c: {  	_ =	shalt  }
0x5d: {  	_ =	shalt  }
0x5e: {  	_ =	shalt  }
0x5f: {  	_ =	shalt  }
0x60: {  	_ =	shalt  }
0x61: {  	_ =	shalt  }
0x62: {  	_ =	shalt  }
0x63: {  	_ =	shalt  }
0x64: {  	_ =	shalt  }
0x65: {  	_ =	shalt  }
0x66: {  	_ =	shalt  }
0x67: {  	_ =	shalt  }
0x68: {  	_ =	shalt  }
0x69: {  	_ =	shalt  }
0x6a: {  	_ =	shalt  }
0x6b: {  	_ =	shalt  }
0x6c: {  	_ =	shalt  }
0x6d: {  	_ =	shalt  }
0x6e: {  	_ =	shalt  }
0x6f: {  	_ =	shalt  }
0x70: {  	_ =	shalt  }
0x71: {  	_ =	shalt  }
0x72: {  	_ =	shalt  }
0x73: {  	_ =	shalt  }
0x74: {  	_ =	shalt  }
0x75: {  	_ =	shalt  }
0x76: {  	_ =	shalt  }
0x77: {  	_ =	shalt  }
0x78: {  	_ =	shalt  }
0x79: {  	_ =	shalt  }
0x7a: {  	_ =	shalt  }
0x7b: {  	_ =	shalt  }
0x7c: {  	_ =	shalt  }
0x7d: {  	_ =	shalt  }
0x7e: {  	_ =	shalt  }
0x7f: {  	_ =	shalt  }
0x80: {  	_ =	shalt  }
0x81: {  	_ =	shalt  }
0x82: {  	_ =	shalt  }
0x83: {  	_ =	shalt  }
0x84: {  	_ =	shalt  }
0x85: {  	_ =	shalt  }
0x86: {  	_ =	shalt  }
0x87: {  	_ =	shalt  }
.Lfunc_end0:
.L_simem_size_0:
called_computation_lowered:
.L_overlay_start_0:
0x88: {  	s2 =	sld [smem:$0x3FD9]  }
0x89: {  	s3 =	sld [smem:$0x3FFE];
	_ =	sdelay $0x1  }
0x8a: {  	s1 =	srdreg.scid  }
0x8b: {  	s0 =	sand.u32 $0x1, s1  }
0x8c: {  	s17 =	sshll.u32 s0, $0xA;
	s2 =	sadd.s32 s3, s2  }
0x8d: {  	s2 =	sadd.s32 s2, s17  }
0x8e: {  	[smem:$0x3FC6] =	sst s2  }
0x8f: {  	_ = 	snop  }
0x90: {  	s2 =	sld [smem:$0x3FD0];
	(tm) =	ssettm $0x1  }
0x91: {  	s18 =	sld [smem:$0x3FFB];
	_ =	sdelay $0x3  }
0x92: {  	_ =	strace s18  }
0x93: {  	s3 =	sld [smem:$0x3FFC];
	_ =	sdelay $0x3  }
0x94: {  	_ =	strace s3  }
0x95: {  	s3 =	sld [smem:$0x3FFD];
	_ =	sdelay $0x3  }
0x96: {  	_ =	strace s3  }
0x97: {  	_ =	strace $0x8FFFFFFF  }
0x98: {  	s19 =	sld [smem:$0x3FDB];
	_ =	sdelay $0x1  }
0x99: {  	s4 =	simm.s32 $_scs_section_size  }
0x9a: {  	s5 =	simm.s32 $_size__tile_overlayer_lowered;
	s6 =	simm.s32 $_tile_overlayer_lowered  }
0x9b: {  	s22 =	simm.s32 $0x1BFF;
	s21 =	sshll.u32 s6, $0x1;
	s3 =	sadd.s32 s4, s19  }
0x9c: {  	s7 =	simm.s32 $0x0;
	s20 =	sshll.u32 s5, $0x1;
	s5 =	sadd.s32 s21, s3  }
0x9d: {  	[timem:s7], [sflag:s22] =	dma.local [hbm:s5], s20  }
0x9e: {  	_ =	swait.ge [sflag:s22], s20  }
0x9f: {  	s4 =	ssub.s32 $0x0, s20;
	[sflag:s22] =	ssyncset.done $0x0  }
0xa0: {  	[sflag:s22] =	ssyncadd.s32 s4;
	_ =	sdelay $0x1  }
0xa1: {  	s23 =	simm.s32 $0x1B8B  }
0xa2: {  	_ =	swait.ge [sflag:s23], $0x1  }
0xa3: {  	[sflag:s23] =	ssyncset.done $0x0  }
0xa4: {  	s25 =	simm.s32 $0x1B8E;
	s24 =	sld [smem:$0x3FFE];
	[sflag:s23] =	ssyncadd.s32 $0xFFFFFFFF  }
0xa5: {  	s26 =	simm.s32 $execute0_lowered;
	[smem:$0x3FD2] =	sst s25  }
0xa6: {  	s5 =	sshll.u32 s26, $0x1;
	_ =	strace $0x80000046;
	[dreg:$0x1] =	wrdreg $0xFFFFFFFF  }
0xa7: {  	s28 =	simm.s32 $_size_execute0_lowered;
	s3 =	sadd.s32 s3, s5;
	[dreg:$0x0] =	wrdreg $0x0  }
0xa8: {  	s5 =	sshll.u32 s28, $0x1;
	[dreg:$0x2] =	wrdreg s3  }
0xa9: {  	[dreg:$0x3] =	wrdreg s5  }
0xaa: {  	[dreg:$0x4] =	wrdreg $0xC0  }
0xab: {  	_ =	task [dreg:s7], $0x5FFFF  }
0xac: {  	[dreg:$0x1] =	wrdreg $0xFFFFFFFF  }
0xad: {  	[dreg:$0x0] =	wrdreg $0x60  }
0xae: {  	[dreg:$0x2] =	wrdreg s24  }
0xaf: {  	[dreg:$0x3] =	wrdreg s2  }
0xb0: {  	[dreg:$0x4] =	wrdreg $0x0  }
0xb1: {  	[dreg:$0x5] =	wrdreg $0x9  }
0xb2: {  	_ =	task.clear_ibuf [dreg:s7], $0x6FFFF;
	_ =	strace $0x90000046  }
0xb3: {  	s29 =	simm.s32 $0x9;
	_ =	strace $0x80000048  }
0xb4: {  	_ =	swait.ge [sflag:s29], $0x1  }
0xb5: {  	[sflag:s29] =	ssyncadd.s32 $0xFFFFFFFF  }
0xb6: {  	_ =	strace $0x90000048  }
0xb7: {  	_ =	sfence  }
0xb8: {  	s30 =	sld [smem:$0x0];
	_ =	sdelay $0x2  }
0xb9: {  	s31 =	sshll.u32 s1, $0xD;
	s1 =	sshrl.u32 s1, $0x2  }
0xba: {  	s3 =	sand.u32 $0x4000, s31;
	s1 =	sadd.s32 s1, s30  }
0xbb: {  	s0 =	sor.u32 s3, s0;
	s1 =	sshll.u32 s1, $0x11  }
0xbc: {  	s0 =	sor.u32 s1, s0  }
0xbd: {  	s0 =	sadd.s32 $0x8F2B, s0  }
0xbe: {  	[sflag:s0] =	ssyncadd.remote.s32 $0x1  }
0xbf: {  	_ =	sfence.sel $0xFFFF  }
0xc0: {  	[dreg:$0x0] =	wrdreg $0xFFFFFFFF;
	(pc) =	sbr.abs _section_cstart, $3  }
0xc1: {  	[dreg:$0x1] =	wrdreg $0xFFFFFFFF  }
0xc2: {  	_ =	task.clear_ibuf [dreg:s7], $0x2FFFF;
	_ =	strace $0x9FFFFFFF  }
0xc3: {  	(tm) =	ssettm $0x7FFFFFFF  }
tec
execute0_lowered:
.L_overlay_start_1:
0x0: {  	(tag) =	ssettag $0x1  }
0x1: {  	s9 =	rddreg [dreg:$0x0]  }
0x2: {  	s1 =	srdreg.scid;
	s8 =	rddreg [dreg:$0x1]  }
0x3: {  	s0 =	stileid.u32;
	s2 =	rddreg [dreg:$0x2];
	s3 =	simm.s32 $0x0  }
0x4: {  	s14 =	simm.s32 $0x1B800;
	s15 =	simm.s32 $0x1B980;
	s5 =	smul.u32 $0xF000, s0  }
0x5: {  	s16 =	simm.s32 $0x80;
	s17 =	simm.s32 $0x1BB00;
	s10 =	smul.u32 $0x14000, s0  }
0x6: {  	s18 =	simm.s32 $0x1BB80;
	s19 =	simm.s32 $0x16800;
	s13 =	smul.u32 $0x300, s0  }
0x7: {  	s20 =	simm.s32 $0x1BC00;
	s4 =	sand.u32 $0x1, s1;
	s30 =	smul.u32 $0x50000, s0  }
0x8: {  	s21 =	simm.s32 $0x19000;
	s1 =	rddreg [dreg:$0x3];
	s6 =	smul.u32 $0x7800, s4  }
0x9: {  	[smem:$0x7FF] =	sst s3;
	s12 =	sshll.u32 s0, $0x1;
	s7 =	smul.u32 $0x140000, s4  }
0xa: {  	_ =	strace $0x80000047;
	s25 =	ssub.s32 $0x2, s4;
	s28 =	sor.u32 s4, s12  }
0xb: {  	s29 =	smul.u32 $0x180, s4;
	s4 =	simm.s32 $0x15;
	s26 =	sshrl.u32 s25, $0x1  }
0xc: {  	p0 =	slt.u32 s28, $0x9;
	s22 =	sadd.s32 s10, s2;
	s5 =	sadd.s32 s6, s5  }
0xd: {  	s23 =	sadd.s32 s10, s7;
	s4 =	simm.s32 @!p0 $0x14;
	s12 =	sadd.s32 s29, s13  }
0xe: {  	s7 =	sshrl.u32 s30, $0x2;
	s13 =	simm.s32 $0x14000;
	s22 =	sshrl.u32 s22, $0x3  }
0xf: {  	s5 =	sshrl.u32 s5, $0x3;
	s6 =	sshrl.u32 s23, $0x3;
	s31 =	sshrl.u32 s12, $0x3  }
0x10: {  	s7 =	sadd.s32 s7, s2;
	s12 =	simm.s32 $0x1;
	s23 =	simm.s32 $0x0  }
0x11: {  	s11 =	sadd.s32 s5, s9;
	s24 =	sadd.s32 s6, s9;
	s6 =	ssub.s32 s25, s26  }
0x12: {  	s8 =	sadd.s32 s31, s8;
	s9 =	sadd.s32 s31, s9;
	s5 =	sadd.s32 $0x7A00, s24  }
0x13: {  	v0 =	vimm.f32 $0.0e+00;
	s6 =	smax.u32 s6, $0x1;
	s10 =	sadd.s32 $0x3CD800, s11;
	s11 =	simm.s32 $0x1BC80  }
.LBB2_1:
0x14: {  	[tilespmem:$0x1BC80] =	vst v0  }
0x15: {  	[tilespmem:$0x1BC90] =	vst v0  }
0x16: {  	[tilespmem:$0x1BCA0] =	vst v0  }
0x17: {  	[tilespmem:$0x1BCB0] =	vst v0  }
0x18: {  	[tilespmem:$0x1BCC0] =	vst v0  }
0x19: {  	[tilespmem:$0x1BCD0] =	vst v0  }
0x1a: {  	[tilespmem:$0x1BCE0] =	vst v0  }
0x1b: {  	[tilespmem:$0x1BCF0] =	vst v0  }
0x1c: {  	[tilespmem:$0x1BD00] =	vst v0  }
0x1d: {  	[tilespmem:$0x1BD10] =	vst v0  }
0x1e: {  	[tilespmem:$0x1BD20] =	vst v0  }
0x1f: {  	[tilespmem:$0x1BD30] =	vst v0  }
0x20: {  	[tilespmem:$0x1BD40] =	vst v0  }
0x21: {  	[tilespmem:$0x1BD50] =	vst v0  }
0x22: {  	[tilespmem:$0x1BD60] =	vst v0  }
0x23: {  	[tilespmem:$0x1BD70] =	vst v0  }
0x24: {  	[tilespmem:$0x1BD80] =	vst v0  }
0x25: {  	[tilespmem:$0x1BD90] =	vst v0  }
0x26: {  	[tilespmem:$0x1BDA0] =	vst v0  }
0x27: {  	[tilespmem:$0x1BDB0] =	vst v0  }
0x28: {  	[tilespmem:$0x1BDC0] =	vst v0  }
0x29: {  	[tilespmem:$0x1BDD0] =	vst v0  }
0x2a: {  	[tilespmem:$0x1BDE0] =	vst v0  }
0x2b: {  	[tilespmem:$0x1BDF0] =	vst v0  }
0x2c: {  	[tilespmem:$0x1BE00] =	vst v0  }
0x2d: {  	[tilespmem:$0x1BE10] =	vst v0  }
0x2e: {  	[tilespmem:$0x1BE20] =	vst v0  }
0x2f: {  	[tilespmem:$0x1BE30] =	vst v0  }
0x30: {  	[tilespmem:$0x1BE40] =	vst v0  }
0x31: {  	[tilespmem:$0x1BE50] =	vst v0  }
0x32: {  	[tilespmem:$0x1BE60] =	vst v0  }
0x33: {  	[tilespmem:$0x1BE70] =	vst v0  }
0x34: {  	[tilespmem:$0x1BE80] =	vst v0  }
0x35: {  	[tilespmem:$0x1BE90] =	vst v0  }
0x36: {  	[tilespmem:$0x1BEA0] =	vst v0  }
0x37: {  	[tilespmem:$0x1BEB0] =	vst v0  }
0x38: {  	[tilespmem:$0x1BEC0] =	vst v0  }
0x39: {  	[tilespmem:$0x1BED0] =	vst v0  }
0x3a: {  	[tilespmem:$0x1BEE0] =	vst v0  }
0x3b: {  	[tilespmem:$0x1BEF0] =	vst v0  }
0x3c: {  	[tilespmem:$0x1BF00] =	vst v0  }
0x3d: {  	[tilespmem:$0x1BF10] =	vst v0  }
0x3e: {  	[tilespmem:$0x1BF20] =	vst v0  }
0x3f: {  	[tilespmem:$0x1BF30] =	vst v0  }
0x40: {  	[tilespmem:$0x1BF40] =	vst v0  }
0x41: {  	[tilespmem:$0x1BF50] =	vst v0  }
0x42: {  	[tilespmem:$0x1BF60] =	vst v0  }
0x43: {  	[tilespmem:$0x1BF70] =	vst v0  }
0x44: {  	[tilespmem:$0x1BF80] =	vst v0  }
0x45: {  	[tilespmem:$0x1BF90] =	vst v0  }
0x46: {  	[tilespmem:$0x1BFA0] =	vst v0  }
0x47: {  	[tilespmem:$0x1BFB0] =	vst v0  }
0x48: {  	[tilespmem:$0x1BFC0] =	vst v0  }
0x49: {  	[tilespmem:$0x1BFD0] =	vst v0  }
0x4a: {  	[tilespmem:$0x1BFE0] =	vst v0  }
0x4b: {  	[tilespmem:$0x1BFF0] =	vst v0  }
0x4c: {  	[tilespmem:$0x1C000] =	vst v0  }
0x4d: {  	[tilespmem:$0x1C010] =	vst v0  }
0x4e: {  	[tilespmem:$0x1C020] =	vst v0  }
0x4f: {  	[tilespmem:$0x1C030] =	vst v0  }
0x50: {  	[tilespmem:$0x1C040] =	vst v0  }
0x51: {  	[tilespmem:$0x1C050] =	vst v0  }
0x52: {  	[tilespmem:$0x1C060] =	vst v0  }
0x53: {  	[tilespmem:$0x1C070] =	vst v0  }
0x54: {  	[tilespmem:$0x1C080] =	vst v0  }
0x55: {  	[tilespmem:$0x1C090] =	vst v0  }
0x56: {  	[tilespmem:$0x1C0A0] =	vst v0  }
0x57: {  	[tilespmem:$0x1C0B0] =	vst v0  }
0x58: {  	[tilespmem:$0x1C0C0] =	vst v0  }
0x59: {  	[tilespmem:$0x1C0D0] =	vst v0  }
0x5a: {  	[tilespmem:$0x1C0E0] =	vst v0  }
0x5b: {  	[tilespmem:$0x1C0F0] =	vst v0  }
0x5c: {  	[tilespmem:$0x1C100] =	vst v0  }
0x5d: {  	[tilespmem:$0x1C110] =	vst v0  }
0x5e: {  	[tilespmem:$0x1C120] =	vst v0  }
0x5f: {  	[tilespmem:$0x1C130] =	vst v0  }
0x60: {  	[tilespmem:$0x1C140] =	vst v0  }
0x61: {  	[tilespmem:$0x1C150] =	vst v0  }
0x62: {  	[tilespmem:$0x1C160] =	vst v0  }
0x63: {  	[tilespmem:$0x1C170] =	vst v0;
	s24 =	sadd.s32 $0x0, s7  }
0x64: {  	[spmem:s24] =	stream.linear.scatter [tilespmem:s11], [sflag:$0x1], $0x500, $0x38;
	[tilespmem:$0x1C180] =	vst v63  }
0x65: {  	s24 =	simm.s32 $0x1400;
	_ =	swait.ge [sflag:s12], $0x500  }
.LBB2_2:
0x66: {  	s25 =	sshra.s32 s24, $0x2;
	[sflag:s12] =	ssyncset.done $0x0;
	p0 =	sne.s32 s24, $0x4EC00  }
.Ltmp0:
0x67: {  	s25 =	sadd.s32 s25, s7;
	[sflag:s12] =	ssyncadd.s32 $0xFFFFFB00;
	(pc) =	sbr.rel @p0 .LBB2_2-.Ltmp0, $3  }
0x68: {  	[spmem:s25] =	stream.linear.scatter [tilespmem:s11], [sflag:$0x1], $0x500, $0x38;
	[tilespmem:$0x1C180] =	vst v63  }
0x69: {  	s24 =	sadd.s32 $0x1400, s24;
	_ =	sdelay $0x1  }
0x6a: {  	_ =	swait.ge [sflag:s12], $0x500  }
0x6b: {  	[sflag:s12] =	ssyncset.done $0x0  }
0x6c: {  	s24 =	smov.u32 s10;
	s25 =	smov.u32 s9;
	[sflag:s12] =	ssyncadd.s32 $0xFFFFFB00  }
0x6d: {  	s26 =	smov.u32 s8;
	s28 =	smov.u32 s4;
	[bflag:$0x0] =	sbarrier.arrive $0xFFFF  }
.LBB2_4:
0x6e: {  	[tilespmem:s13], [sflag:$0x1] =	stream.linear.gather [hbm4b:s24+s3], $0x7800, $0x38;
	[tilespmem:$0x1C180] =	vst v63  }
0x6f: {  	_ =	swait.ge [sflag:s12], $0x7800  }
0x70: {  	[sflag:s12] =	ssyncset.done $0x0  }
0x71: {  	[sflag:s12] =	ssyncadd.s32 $0xFFFF8800  }
0x72: {  	[tilespmem:s14], [sflag:$0x1] =	stream.linear.gather [hbm4b:s25+s3], $0x180, $0x38;
	[tilespmem:$0x1C180] =	vst v63  }
0x73: {  	_ =	swait.ge [sflag:s12], $0x180  }
0x74: {  	[sflag:s12] =	ssyncset.done $0x0  }
0x75: {  	[sflag:s12] =	ssyncadd.s32 $0xFFFFFE80  }
0x76: {  	[tilespmem:s15], [sflag:$0x1] =	stream.linear.gather [hbm4b:s26+s3], $0x180, $0x38;
	[tilespmem:$0x1C180] =	vst v63  }
0x77: {  	_ =	swait.ge [sflag:s12], $0x180  }
0x78: {  	[sflag:s12] =	ssyncset.done $0x0  }
0x79: {  	[sflag:s12] =	ssyncadd.s32 $0xFFFFFE80  }
0x7a: {  	v1 =	vld [tilespmem:$0x1B800]  }
0x7b: {  	v2 =	vld [tilespmem:$0x1B980]  }
0x7c: {  	v3 =	vld [tilespmem:$0x1B810]  }
0x7d: {  	v4 =	vld [tilespmem:$0x1B990]  }
0x7e: {  	v5 =	vld [tilespmem:$0x1B820]  }
0x7f: {  	v6 =	vld [tilespmem:$0x1B9A0]  }
0x80: {  	v7 =	vld [tilespmem:$0x1B830]  }
0x81: {  	v8 =	vld [tilespmem:$0x1B9B0]  }
0x82: {  	v9 =	vld [tilespmem:$0x1B840]  }
0x83: {  	v10 =	vld [tilespmem:$0x1B9C0]  }
0x84: {  	v11 =	vld [tilespmem:$0x1B850]  }
0x85: {  	v12 =	vld [tilespmem:$0x1B9D0]  }
0x86: {  	v13 =	vld [tilespmem:$0x1B860]  }
0x87: {  	v14 =	vld [tilespmem:$0x1B9E0]  }
0x88: {  	v15 =	vld [tilespmem:$0x1B870]  }
0x89: {  	v16 =	vld [tilespmem:$0x1B9F0]  }
0x8a: {  	v17 =	vld [tilespmem:$0x1B880]  }
0x8b: {  	v18 =	vld [tilespmem:$0x1BA00]  }
0x8c: {  	v19 =	vld [tilespmem:$0x1B890]  }
0x8d: {  	v20 =	vld [tilespmem:$0x1BA10]  }
0x8e: {  	v21 =	vld [tilespmem:$0x1B8A0]  }
0x8f: {  	v22 =	vld [tilespmem:$0x1BA20]  }
0x90: {  	v23 =	vld [tilespmem:$0x1B8B0]  }
0x91: {  	v24 =	vld [tilespmem:$0x1BA30]  }
0x92: {  	v25 =	vld [tilespmem:$0x1B8C0]  }
0x93: {  	v26 =	vld [tilespmem:$0x1BA40]  }
0x94: {  	v27 =	vld [tilespmem:$0x1B8D0]  }
0x95: {  	v28 =	vld [tilespmem:$0x1BA50]  }
0x96: {  	v29 =	vld [tilespmem:$0x1B8E0];
	v1 =	vshll.u32 v1, $0x7  }
0x97: {  	v47 =	vld [tilespmem:$0x1B8F0];
	v1 =	vadd.s32 v2, v1;
	v2 =	vshll.u32 v3, $0x7  }
0x98: {  	v48 =	vld [tilespmem:$0x1BA70];
	[tilespmem:$0x1BB00] =	vst v1;
	v1 =	vadd.s32 v4, v2;
	v2 =	vshll.u32 v5, $0x7  }
0x99: {  	v49 =	vld [tilespmem:$0x1B900];
	[tilespmem:$0x1BB10] =	vst v1;
	v1 =	vadd.s32 v6, v2;
	v2 =	vshll.u32 v7, $0x7  }
0x9a: {  	v50 =	vld [tilespmem:$0x1BA80];
	[tilespmem:$0x1BB20] =	vst v1;
	v1 =	vadd.s32 v8, v2;
	v2 =	vshll.u32 v9, $0x7  }
0x9b: {  	v51 =	vld [tilespmem:$0x1B910];
	[tilespmem:$0x1BB30] =	vst v1;
	v1 =	vadd.s32 v10, v2;
	v2 =	vshll.u32 v11, $0x7  }
0x9c: {  	v52 =	vld [tilespmem:$0x1BA90];
	[tilespmem:$0x1BB40] =	vst v1;
	v1 =	vadd.s32 v12, v2;
	v2 =	vshll.u32 v13, $0x7  }
0x9d: {  	v53 =	vld [tilespmem:$0x1B920];
	[tilespmem:$0x1BB50] =	vst v1;
	v1 =	vadd.s32 v14, v2;
	v2 =	vshll.u32 v15, $0x7  }
0x9e: {  	v54 =	vld [tilespmem:$0x1BAA0];
	[tilespmem:$0x1BB60] =	vst v1;
	v1 =	vadd.s32 v16, v2;
	v2 =	vshll.u32 v17, $0x7  }
0x9f: {  	v55 =	vld [tilespmem:$0x1B930];
	[tilespmem:$0x1BB70] =	vst v1;
	v1 =	vadd.s32 v18, v2;
	v2 =	vshll.u32 v19, $0x7  }
0xa0: {  	v3 =	vld [tilespmem:$0x1BA60];
	[tilespmem:$0x1BB80] =	vst v1;
	v1 =	vadd.s32 v20, v2;
	v2 =	vshll.u32 v21, $0x7  }
0xa1: {  	v56 =	vld [tilespmem:$0x1BAB0];
	[tilespmem:$0x1BB90] =	vst v1;
	v1 =	vadd.s32 v22, v2;
	v2 =	vshll.u32 v23, $0x7  }
0xa2: {  	v57 =	vld [tilespmem:$0x1B940];
	[tilespmem:$0x1BBA0] =	vst v1;
	v1 =	vadd.s32 v24, v2;
	v2 =	vshll.u32 v25, $0x7  }
0xa3: {  	v58 =	vld [tilespmem:$0x1BAC0];
	[tilespmem:$0x1BBB0] =	vst v1;
	v1 =	vadd.s32 v26, v2;
	v2 =	vshll.u32 v27, $0x7  }
0xa4: {  	v59 =	vld [tilespmem:$0x1B950];
	[tilespmem:$0x1BBC0] =	vst v1;
	v1 =	vadd.s32 v28, v2;
	v2 =	vshll.u32 v29, $0x7  }
0xa5: {  	v60 =	vld [tilespmem:$0x1B960];
	[tilespmem:$0x1BBD0] =	vst v1;
	v1 =	vadd.s32 v3, v2;
	v2 =	vshll.u32 v47, $0x7  }
0xa6: {  	v61 =	vld [tilespmem:$0x1BAE0];
	[tilespmem:$0x1BBE0] =	vst v1;
	v1 =	vadd.s32 v48, v2;
	v2 =	vshll.u32 v49, $0x7  }
0xa7: {  	v3 =	vld [tilespmem:$0x1BAD0];
	[tilespmem:$0x1BBF0] =	vst v1;
	v1 =	vadd.s32 v50, v2;
	v2 =	vshll.u32 v51, $0x7  }
0xa8: {  	v62 =	vld [tilespmem:$0x1B970];
	[tilespmem:$0x1BC00] =	vst v1;
	v1 =	vadd.s32 v52, v2;
	v2 =	vshll.u32 v53, $0x7  }
0xa9: {  	v63 =	vld [tilespmem:$0x1BAF0];
	[tilespmem:$0x1BC10] =	vst v1;
	v1 =	vadd.s32 v54, v2;
	v2 =	vshll.u32 v55, $0x7  }
0xaa: {  	[tilespmem:$0x1BC20] =	vst v1;
	v1 =	vadd.s32 v56, v2;
	v2 =	vshll.u32 v57, $0x7  }
0xab: {  	[tilespmem:$0x1BC30] =	vst v1;
	v1 =	vadd.s32 v58, v2;
	v2 =	vshll.u32 v59, $0x7  }
0xac: {  	[tilespmem:$0x1BC40] =	vst v1;
	v1 =	vadd.s32 v3, v2;
	v2 =	vshll.u32 v60, $0x7  }
0xad: {  	[tilespmem:$0x1BC50] =	vst v1;
	v1 =	vadd.s32 v61, v2;
	v2 =	vshll.u32 v62, $0x7  }
0xae: {  	[tilespmem:$0x1BC60] =	vst v1;
	v1 =	vadd.s32 v63, v2  }
0xaf: {  	[tilespmem:$0x1BC70] =	vst v1  }
0xb0: {  	[spmem:s2] =	stream.indirect.scatter.add.f32 [tilespmem:s13], [sflag:$0x1], $0x50, s17, s16, $0xb8;
	[tilespmem:$0x1C180] =	vst v63  }
0xb1: {  	_ =	swait.ge [sflag:s12], $0x2800  }
0xb2: {  	[sflag:s12] =	ssyncset.done $0x0  }
0xb3: {  	[sflag:s12] =	ssyncadd.s32 $0xFFFFD800  }
0xb4: {  	[spmem:s2] =	stream.indirect.scatter.add.f32 [tilespmem:s19], [sflag:$0x1], $0x50, s18, s16, $0xb8;
	[tilespmem:$0x1C180] =	vst v63  }
0xb5: {  	_ =	swait.ge [sflag:s12], $0x2800  }
0xb6: {  	p0 =	sne.s32 s28, $0x1;
	[sflag:s12] =	ssyncset.done $0x0  }
.Ltmp1:
0xb7: {  	[sflag:s12] =	ssyncadd.s32 $0xFFFFD800;
	(pc) =	sbr.rel @p0 .LBB2_4-.Ltmp1, $4  }
0xb8: {  	[spmem:s2] =	stream.indirect.scatter.add.f32 [tilespmem:s21], [sflag:$0x1], $0x50, s20, s16, $0xb8;
	[tilespmem:$0x1C180] =	vst v63  }
0xb9: {  	_ =	swait.ge [sflag:s12], $0x2800  }
0xba: {  	s24 =	sadd.s32 $0x1E000, s24;
	s28 =	sadd.s32 $0xFFFFFFFF, s28;
	[sflag:s12] =	ssyncset.done $0x0  }
0xbb: {  	s25 =	sadd.s32 $0x600, s25;
	s26 =	sadd.s32 $0x600, s26;
	[sflag:s12] =	ssyncadd.s32 $0xFFFFD800  }
0xbc: {  	s23 =	sadd.s32 $0x1, s23  }
0xbd: {  	s24 =	sshll.u32 s0, $0x6;
	p0 =	sne.s32 s23, s6  }
.Ltmp2:
0xbe: {  	[bflag:$0x0] =	sbarrier.arrive $0xFFFF;
	s24 =	sor.u32 $0x1C01, s24;
	(pc) =	sbr.rel @p0 .LBB2_1-.Ltmp2, $4  }
0xbf: {  	[hbm:s5], [sflag:s24] =	dma.local [spmem:s22], $0x2800  }
0xc0: {  	_ =	swait.ge [sflag:s12], $0x2800  }
0xc1: {  	[sflag:s12] =	ssyncset.done $0x0  }
0xc2: {  	[sflag:s12] =	ssyncadd.s32 $0xFFFFD800  }
0xc3: {  	_ =	sfence.sel $0x180000  }
0xc4: {  	[bflag:$0x0] =	sbarrier.arrive $0xFFFF  }
0xc5: {  	p0 =	sne.s32 s0, $0x0;
	_ =	strace $0x90000047  }
0xc6: {  	s0 =	sadd.s32 @!p0 $0x100000, s1;
	[bflag:$0x2] =	sbarrier.arrive $0xFFFF  }
0xc7: {  	[sflag:s0] =	ssyncadd.tile.s32 @!p0 $0x1;
	_ =	shalt  }
.Lfunc_end2:
_tile_overlayer_lowered:
.L_overlay_start_2:
0xc8: {  	(tag) =	ssettag $0x2  }
0xc9: {  	s0 =	rddreg [dreg:$0x0];
	s2 =	stileid.u32  }
0xca: {  	s1 =	rddreg [dreg:$0x1];
	p0 =	sne.s32 s2, $0x0  }
0xcb: {  	s3 =	rddreg [dreg:$0x2];
	[bflag:$0x3] =	sbarrier.arrive $0xFFFF;
	s2 =	simm.s32 @!p0 $0x1C01  }
0xcc: {  	[timem:s3], [sflag:s2] =	dma.local @!p0 [hbm:s0], s1  }
0xcd: {  	s0 =	simm.s32 @!p0 $0x1  }
0xce: {  	_ =	swait.ge @!p0 [sflag:s0], s1  }
0xcf: {  	s1 =	ssub.s32 @!p0 $0x0, s1;
	[sflag:s0] =	ssyncset.done @!p0 $0x0  }
0xd0: {  	[sflag:s0] =	ssyncadd.s32 @!p0 s1  }
0xd1: {  	[bflag:$0x3] =	sbarrier.arrive $0xFFFF  }
0xd2: {  	_ =	shalt  }

</sc_bundles>
